<compile_context>
chip_gen: v7x
topology: tpu7x:2x2x1
jax: 0.10.2.dev20260603
libtpu: 0.0.44.dev20260713+nightly
codegen_flags: <defaults>
</compile_context>

<pallas_src>
import functools
import jax
import jax.numpy as jnp
from jax import lax
from jax.experimental import pallas as pl
from jax.experimental.pallas import tpu as pltpu
from jax.experimental.pallas import tpu_sc as plsc

B, F, M, R = 1024, 64, 8, 256
K = F * M
NC, NS, L = 2, 16, 16
NW = NC * NS
BPW = B // NW
RG = R // L


def _sc_kernel(mf_hbm, off_hbm, fir_hbm, norm_hbm,
               mf_v, off_v, fir_v, norm_v, red_v):
    wid = lax.axis_index("s") * NC + lax.axis_index("c")
    base = wid * BPW
    pltpu.sync_copy(mf_hbm.at[pl.ds(base * K, BPW * K)], mf_v)
    pltpu.sync_copy(off_hbm, off_v)

    def per_b(bloc, _):
        brow = bloc * K

        def per_f(f, accs):
            out = []
            for rg in range(RG):
                idxv = off_v[pl.ds(f * R + rg * L, L)] + brow
                g = plsc.load_gather(mf_v, [idxv])
                out.append(accs[rg] * (g + 1e-9))
            return tuple(out)

        accs = lax.fori_loop(
            0, F, per_f, tuple(jnp.ones((L,), jnp.float32) for _ in range(RG)))

        tot = accs[0]
        for rg in range(1, RG):
            tot = tot + accs[rg]
        red_v[...] = plsc.cumsum(tot)
        splat_last = jnp.zeros((L,), jnp.int32) + (L - 1)
        s = plsc.load_gather(red_v, [splat_last]) + 1e-6
        inv = jnp.ones((L,), jnp.float32) / s
        orow = bloc * R
        for rg in range(RG):
            fir_v[pl.ds(orow + rg * L, L)] = accs[rg]
            norm_v[pl.ds(orow + rg * L, L)] = accs[rg] * inv
        return _

    lax.fori_loop(0, BPW, per_b, 0)
    pltpu.sync_copy(fir_v, fir_hbm.at[pl.ds(base * R, BPW * R)])
    pltpu.sync_copy(norm_v, norm_hbm.at[pl.ds(base * R, BPW * R)])


def kernel(mf_values, rule_indices):
    mf_flat = jnp.reshape(mf_values, (B * K,))
    off = (rule_indices.astype(jnp.int32) * 1
           + jnp.arange(F, dtype=jnp.int32)[None, :] * M).T.reshape(F * R)

    mesh = plsc.VectorSubcoreMesh(core_axis_name="c", subcore_axis_name="s")
    run = functools.partial(
        pl.kernel, mesh=mesh,
        compiler_params=pltpu.CompilerParams(needs_layout_passes=False),
        out_type=(jax.ShapeDtypeStruct((B * R,), jnp.float32),
                  jax.ShapeDtypeStruct((B * R,), jnp.float32)),
        scratch_types=[
            pltpu.VMEM((BPW * K,), jnp.float32),
            pltpu.VMEM((F * R,), jnp.int32),
            pltpu.VMEM((BPW * R,), jnp.float32),
            pltpu.VMEM((BPW * R,), jnp.float32),
            pltpu.VMEM((L,), jnp.float32),
        ],
    )(_sc_kernel)
    fir, nrm = run(mf_flat, off)
    return fir.reshape(B, R), nrm.reshape(B, R)

# --- scband reference (transcript-rebuilt; emitter-appended) ---
"""Pipeline reference for scband-rule-layer-19387482374754 (READ-ONLY COPY).

The authoritative reference and input builder live on the scoring server;
editing this copy changes nothing except your own understanding.
"""

import jax, jax.numpy as jnp
import numpy as np

B, F, M, R = 1024, 64, 8, 256

def setup_inputs(seed: int = 0) -> dict:
    key = jax.random.key(seed)
    k1, k2 = jax.random.split(key)
    mf_values = jax.random.uniform(k1, (B, F, M), dtype=jnp.float32)
    rule_indices = jax.random.randint(k2, (R, F), 0, M, dtype=jnp.int64) if jax.config.jax_enable_x64 else jax.random.randint(k2, (R, F), 0, M, dtype=jnp.int32)
    return {"mf_values": mf_values, "rule_indices": rule_indices}

def reference(mf_values, rule_indices):
    # Hard MF assignment (fast production path):
    # mf_selected[b, r, f] = mf_values[b, f, rule_indices[r, f]]
    b_idx = jnp.arange(mf_values.shape[0])[:, None, None]   # (B,1,1)
    f_idx = jnp.arange(mf_values.shape[1])[None, None, :]   # (1,1,F)
    m_idx = rule_indices[None, :, :]                          # (1,R,F)
    mf_selected = mf_values[b_idx, f_idx, m_idx]              # (B,R,F) gather
    log_selected = jnp.log(mf_selected + 1e-09)
    log_firing = jnp.sum(log_selected, axis=2)                # (B,R)
    firing = jnp.exp(log_firing)
    sum_over_rules = jnp.sum(firing, axis=1, keepdims=True) + 1e-06
    norm = firing / sum_over_rules
    return (firing, norm)

if __name__ == "__main__":
    import jax
    _d = setup_inputs()
    print(jax.jit(kernel)(*tuple(_d.values())))

</pallas_src>

<mosaic_0001>
#map = affine_map<(d0, d1) -> (0)>
module attributes {stable_mosaic.version = 14 : i64} {
  func.func @_sc_kernel(%arg0: i32, %arg1: i32, %arg2: memref<524288xf32, #tpu.memory_space<hbm>>, %arg3: memref<16384xi32, #tpu.memory_space<hbm>>, %arg4: memref<262144xf32, #tpu.memory_space<hbm>>, %arg5: memref<262144xf32, #tpu.memory_space<hbm>>, %arg6: memref<16384xf32, #tpu.memory_space<vmem>>, %arg7: memref<16384xi32, #tpu.memory_space<vmem>>, %arg8: memref<8192xf32, #tpu.memory_space<vmem>>, %arg9: memref<8192xf32, #tpu.memory_space<vmem>>, %arg10: memref<16xf32, #tpu.memory_space<vmem>>) attributes {dimension_semantics = [#tpu.dimension_semantics<core_parallel>, #tpu.dimension_semantics<subcore_parallel>], iteration_bounds = array<i64: 2, 16>, scalar_prefetch = 0 : i64, scratch_operands = 5 : i64, tpu.core_type = #tpu.core_type<sc_vector_subcore>, window_params = [{transform_indices = #map}, {transform_indices = #map}, {transform_indices = #map}, {transform_indices = #map}]} {
    %mul3A = arith.constant 2 : i32
    %mul3A_0 = arith.muli %arg1, %mul3A : i32
    %add3A = arith.addi %mul3A_0, %arg0 : i32
    %mul3A_1 = arith.constant 32 : i32
    %mul3A_2 = arith.muli %add3A, %mul3A_1 : i32
    %mul3A_3 = arith.constant 512 : i32
    %mul3A_4 = arith.muli %mul3A_2, %mul3A_3 : i32
    "tpu.region"() ({
      %run_scoped3A = tpu.sem_alloc : memref<!tpu.dma_semaphore, #tpu.memory_space<semaphore_mem>>
      %dma_start3A = tpu.memref_slice %arg2[%mul3A_4] : memref<524288xf32, #tpu.memory_space<hbm>> -> memref<16384xf32, #tpu.memory_space<hbm>>
      %dma_start3A_14 = tpu.memref_slice %arg2[%mul3A_4] : memref<524288xf32, #tpu.memory_space<hbm>> -> memref<16384xf32, #tpu.memory_space<hbm>>
      tpu.enqueue_dma source(%dma_start3A_14 : memref<16384xf32, #tpu.memory_space<hbm>>) target(%arg6 : memref<16384xf32, #tpu.memory_space<vmem>>) target_semaphore(%run_scoped3A : memref<!tpu.dma_semaphore, #tpu.memory_space<semaphore_mem>>)
      %dma_wait3A = tpu.memref_slice %arg2[%mul3A_4] : memref<524288xf32, #tpu.memory_space<hbm>> -> memref<16384xf32, #tpu.memory_space<hbm>>
      %dma_wait3A_15 = tpu.memref_slice %arg2[%mul3A_4] : memref<524288xf32, #tpu.memory_space<hbm>> -> memref<16384xf32, #tpu.memory_space<hbm>>
      tpu.wait_dma2 semaphore(%run_scoped3A : memref<!tpu.dma_semaphore, #tpu.memory_space<semaphore_mem>>) src(%dma_wait3A_15 : memref<16384xf32, #tpu.memory_space<hbm>>) dst(%arg6 : memref<16384xf32, #tpu.memory_space<vmem>>)
      tpu.yield
    }) : () -> ()
    "tpu.region"() ({
      %run_scoped3A = tpu.sem_alloc : memref<!tpu.dma_semaphore, #tpu.memory_space<semaphore_mem>>
      tpu.enqueue_dma source(%arg3 : memref<16384xi32, #tpu.memory_space<hbm>>) target(%arg7 : memref<16384xi32, #tpu.memory_space<vmem>>) target_semaphore(%run_scoped3A : memref<!tpu.dma_semaphore, #tpu.memory_space<semaphore_mem>>)
      tpu.wait_dma2 semaphore(%run_scoped3A : memref<!tpu.dma_semaphore, #tpu.memory_space<semaphore_mem>>) src(%arg3 : memref<16384xi32, #tpu.memory_space<hbm>>) dst(%arg7 : memref<16384xi32, #tpu.memory_space<vmem>>)
      tpu.yield
    }) : () -> ()
    %scan3A = arith.constant 0 : i32
    %scan3A_5 = arith.constant 0 : i32
    %scan3A_6 = arith.constant 32 : i32
    %scan3A_7 = arith.addi %scan3A_5, %scan3A_6 : i32
    %scan3A_8 = arith.constant 1 : i32
    scf.for %scan3A_14 = %scan3A_5 to %scan3A_7 step %scan3A_8  : i32 {
      %mul3A_15 = arith.constant 512 : i32
      %mul3A_16 = arith.muli %scan3A_14, %mul3A_15 : i32
      %broadcast_in_dim3A = arith.constant 1.000000e+00 : f32
      %broadcast_in_dim3A_17 = vector.broadcast %broadcast_in_dim3A : f32 to vector<16xf32>
      %broadcast_in_dim3A_18 = arith.constant 1.000000e+00 : f32
      %broadcast_in_dim3A_19 = vector.broadcast %broadcast_in_dim3A_18 : f32 to vector<16xf32>
      %broadcast_in_dim3A_20 = arith.constant 1.000000e+00 : f32
      %broadcast_in_dim3A_21 = vector.broadcast %broadcast_in_dim3A_20 : f32 to vector<16xf32>
      %broadcast_in_dim3A_22 = arith.constant 1.000000e+00 : f32
      %broadcast_in_dim3A_23 = vector.broadcast %broadcast_in_dim3A_22 : f32 to vector<16xf32>
      %broadcast_in_dim3A_24 = arith.constant 1.000000e+00 : f32
      %broadcast_in_dim3A_25 = vector.broadcast %broadcast_in_dim3A_24 : f32 to vector<16xf32>
      %broadcast_in_dim3A_26 = arith.constant 1.000000e+00 : f32
      %broadcast_in_dim3A_27 = vector.broadcast %broadcast_in_dim3A_26 : f32 to vector<16xf32>
      %broadcast_in_dim3A_28 = arith.constant 1.000000e+00 : f32
      %broadcast_in_dim3A_29 = vector.broadcast %broadcast_in_dim3A_28 : f32 to vector<16xf32>
      %broadcast_in_dim3A_30 = arith.constant 1.000000e+00 : f32
      %broadcast_in_dim3A_31 = vector.broadcast %broadcast_in_dim3A_30 : f32 to vector<16xf32>
      %broadcast_in_dim3A_32 = arith.constant 1.000000e+00 : f32
      %broadcast_in_dim3A_33 = vector.broadcast %broadcast_in_dim3A_32 : f32 to vector<16xf32>
      %broadcast_in_dim3A_34 = arith.constant 1.000000e+00 : f32
      %broadcast_in_dim3A_35 = vector.broadcast %broadcast_in_dim3A_34 : f32 to vector<16xf32>
      %broadcast_in_dim3A_36 = arith.constant 1.000000e+00 : f32
      %broadcast_in_dim3A_37 = vector.broadcast %broadcast_in_dim3A_36 : f32 to vector<16xf32>
      %broadcast_in_dim3A_38 = arith.constant 1.000000e+00 : f32
      %broadcast_in_dim3A_39 = vector.broadcast %broadcast_in_dim3A_38 : f32 to vector<16xf32>
      %broadcast_in_dim3A_40 = arith.constant 1.000000e+00 : f32
      %broadcast_in_dim3A_41 = vector.broadcast %broadcast_in_dim3A_40 : f32 to vector<16xf32>
      %broadcast_in_dim3A_42 = arith.constant 1.000000e+00 : f32
      %broadcast_in_dim3A_43 = vector.broadcast %broadcast_in_dim3A_42 : f32 to vector<16xf32>
      %broadcast_in_dim3A_44 = arith.constant 1.000000e+00 : f32
      %broadcast_in_dim3A_45 = vector.broadcast %broadcast_in_dim3A_44 : f32 to vector<16xf32>
      %broadcast_in_dim3A_46 = arith.constant 1.000000e+00 : f32
      %broadcast_in_dim3A_47 = vector.broadcast %broadcast_in_dim3A_46 : f32 to vector<16xf32>
      %scan3A_48 = arith.constant 0 : i32
      %scan3A_49 = arith.constant 64 : i32
      %scan3A_50 = arith.addi %scan3A_48, %scan3A_49 : i32
      %scan3A_51 = arith.constant 1 : i32
      %scan3A_52:16 = scf.for %scan3A_228 = %scan3A_48 to %scan3A_50 step %scan3A_51 iter_args(%scan3A_229 = %broadcast_in_dim3A_17, %scan3A_230 = %broadcast_in_dim3A_19, %scan3A_231 = %broadcast_in_dim3A_21, %scan3A_232 = %broadcast_in_dim3A_23, %scan3A_233 = %broadcast_in_dim3A_25, %scan3A_234 = %broadcast_in_dim3A_27, %scan3A_235 = %broadcast_in_dim3A_29, %scan3A_236 = %broadcast_in_dim3A_31, %scan3A_237 = %broadcast_in_dim3A_33, %scan3A_238 = %broadcast_in_dim3A_35, %scan3A_239 = %broadcast_in_dim3A_37, %scan3A_240 = %broadcast_in_dim3A_39, %scan3A_241 = %broadcast_in_dim3A_41, %scan3A_242 = %broadcast_in_dim3A_43, %scan3A_243 = %broadcast_in_dim3A_45, %scan3A_244 = %broadcast_in_dim3A_47) -> (vector<16xf32>, vector<16xf32>, vector<16xf32>, vector<16xf32>, vector<16xf32>, vector<16xf32>, vector<16xf32>, vector<16xf32>, vector<16xf32>, vector<16xf32>, vector<16xf32>, vector<16xf32>, vector<16xf32>, vector<16xf32>, vector<16xf32>, vector<16xf32>)  : i32 {
        %mul3A_245 = arith.constant 256 : i32
        %mul3A_246 = arith.muli %scan3A_228, %mul3A_245 : i32
        %add3A_247 = arith.constant 0 : i32
        %add3A_248 = arith.addi %mul3A_246, %add3A_247 : i32
        %get3A = arith.index_cast %add3A_248 : i32 to index
        %get3A_249 = tpu.vector_load %arg7[%get3A] {strides = array<i32>} : memref<16384xi32, #tpu.memory_space<vmem>>, vector<16xi32>,
        %add3A_250 = vector.broadcast %mul3A_16 : i32 to vector<16xi32>
        %add3A_251 = arith.addi %get3A_249, %add3A_250 : vector<16xi32>
        %gather3A_252 = tpu.vector_load_idx %arg6[%add3A_251] : memref<16384xf32, #tpu.memory_space<vmem>>[vector<16xi32>], vector<16xf32>,
        %add3A_253 = arith.constant 9.99999971E-10 : f32
        %add3A_254 = vector.broadcast %add3A_253 : f32 to vector<16xf32>
        %add3A_255 = arith.addf %gather3A_252, %add3A_254 : vector<16xf32>
        %mul3A_256 = arith.mulf %scan3A_229, %add3A_255 : vector<16xf32>
        %mul3A_257 = arith.constant 256 : i32
        %mul3A_258 = arith.muli %scan3A_228, %mul3A_257 : i32
        %add3A_259 = arith.constant 16 : i32
        %add3A_260 = arith.addi %mul3A_258, %add3A_259 : i32
        %get3A_261 = arith.index_cast %add3A_260 : i32 to index
        %get3A_262 = tpu.vector_load %arg7[%get3A_261] {strides = array<i32>} : memref<16384xi32, #tpu.memory_space<vmem>>, vector<16xi32>,
        %add3A_263 = vector.broadcast %mul3A_16 : i32 to vector<16xi32>
        %add3A_264 = arith.addi %get3A_262, %add3A_263 : vector<16xi32>
        %gather3A_265 = tpu.vector_load_idx %arg6[%add3A_264] : memref<16384xf32, #tpu.memory_space<vmem>>[vector<16xi32>], vector<16xf32>,
        %add3A_266 = arith.constant 9.99999971E-10 : f32
        %add3A_267 = vector.broadcast %add3A_266 : f32 to vector<16xf32>
        %add3A_268 = arith.addf %gather3A_265, %add3A_267 : vector<16xf32>
        %mul3A_269 = arith.mulf %scan3A_230, %add3A_268 : vector<16xf32>
        %mul3A_270 = arith.constant 256 : i32
        %mul3A_271 = arith.muli %scan3A_228, %mul3A_270 : i32
        %add3A_272 = arith.constant 32 : i32
        %add3A_273 = arith.addi %mul3A_271, %add3A_272 : i32
        %get3A_274 = arith.index_cast %add3A_273 : i32 to index
        %get3A_275 = tpu.vector_load %arg7[%get3A_274] {strides = array<i32>} : memref<16384xi32, #tpu.memory_space<vmem>>, vector<16xi32>,
        %add3A_276 = vector.broadcast %mul3A_16 : i32 to vector<16xi32>
        %add3A_277 = arith.addi %get3A_275, %add3A_276 : vector<16xi32>
        %gather3A_278 = tpu.vector_load_idx %arg6[%add3A_277] : memref<16384xf32, #tpu.memory_space<vmem>>[vector<16xi32>], vector<16xf32>,
        %add3A_279 = arith.constant 9.99999971E-10 : f32
        %add3A_280 = vector.broadcast %add3A_279 : f32 to vector<16xf32>
        %add3A_281 = arith.addf %gather3A_278, %add3A_280 : vector<16xf32>
        %mul3A_282 = arith.mulf %scan3A_231, %add3A_281 : vector<16xf32>
        %mul3A_283 = arith.constant 256 : i32
        %mul3A_284 = arith.muli %scan3A_228, %mul3A_283 : i32
        %add3A_285 = arith.constant 48 : i32
        %add3A_286 = arith.addi %mul3A_284, %add3A_285 : i32
        %get3A_287 = arith.index_cast %add3A_286 : i32 to index
        %get3A_288 = tpu.vector_load %arg7[%get3A_287] {strides = array<i32>} : memref<16384xi32, #tpu.memory_space<vmem>>, vector<16xi32>,
        %add3A_289 = vector.broadcast %mul3A_16 : i32 to vector<16xi32>
        %add3A_290 = arith.addi %get3A_288, %add3A_289 : vector<16xi32>
        %gather3A_291 = tpu.vector_load_idx %arg6[%add3A_290] : memref<16384xf32, #tpu.memory_space<vmem>>[vector<16xi32>], vector<16xf32>,
        %add3A_292 = arith.constant 9.99999971E-10 : f32
        %add3A_293 = vector.broadcast %add3A_292 : f32 to vector<16xf32>
        %add3A_294 = arith.addf %gather3A_291, %add3A_293 : vector<16xf32>
        %mul3A_295 = arith.mulf %scan3A_232, %add3A_294 : vector<16xf32>
        %mul3A_296 = arith.constant 256 : i32
        %mul3A_297 = arith.muli %scan3A_228, %mul3A_296 : i32
        %add3A_298 = arith.constant 64 : i32
        %add3A_299 = arith.addi %mul3A_297, %add3A_298 : i32
        %get3A_300 = arith.index_cast %add3A_299 : i32 to index
        %get3A_301 = tpu.vector_load %arg7[%get3A_300] {strides = array<i32>} : memref<16384xi32, #tpu.memory_space<vmem>>, vector<16xi32>,
        %add3A_302 = vector.broadcast %mul3A_16 : i32 to vector<16xi32>
        %add3A_303 = arith.addi %get3A_301, %add3A_302 : vector<16xi32>
        %gather3A_304 = tpu.vector_load_idx %arg6[%add3A_303] : memref<16384xf32, #tpu.memory_space<vmem>>[vector<16xi32>], vector<16xf32>,
        %add3A_305 = arith.constant 9.99999971E-10 : f32
        %add3A_306 = vector.broadcast %add3A_305 : f32 to vector<16xf32>
        %add3A_307 = arith.addf %gather3A_304, %add3A_306 : vector<16xf32>
        %mul3A_308 = arith.mulf %scan3A_233, %add3A_307 : vector<16xf32>
        %mul3A_309 = arith.constant 256 : i32
        %mul3A_310 = arith.muli %scan3A_228, %mul3A_309 : i32
        %add3A_311 = arith.constant 80 : i32
        %add3A_312 = arith.addi %mul3A_310, %add3A_311 : i32
        %get3A_313 = arith.index_cast %add3A_312 : i32 to index
        %get3A_314 = tpu.vector_load %arg7[%get3A_313] {strides = array<i32>} : memref<16384xi32, #tpu.memory_space<vmem>>, vector<16xi32>,
        %add3A_315 = vector.broadcast %mul3A_16 : i32 to vector<16xi32>
        %add3A_316 = arith.addi %get3A_314, %add3A_315 : vector<16xi32>
        %gather3A_317 = tpu.vector_load_idx %arg6[%add3A_316] : memref<16384xf32, #tpu.memory_space<vmem>>[vector<16xi32>], vector<16xf32>,
        %add3A_318 = arith.constant 9.99999971E-10 : f32
        %add3A_319 = vector.broadcast %add3A_318 : f32 to vector<16xf32>
        %add3A_320 = arith.addf %gather3A_317, %add3A_319 : vector<16xf32>
        %mul3A_321 = arith.mulf %scan3A_234, %add3A_320 : vector<16xf32>
        %mul3A_322 = arith.constant 256 : i32
        %mul3A_323 = arith.muli %scan3A_228, %mul3A_322 : i32
        %add3A_324 = arith.constant 96 : i32
        %add3A_325 = arith.addi %mul3A_323, %add3A_324 : i32
        %get3A_326 = arith.index_cast %add3A_325 : i32 to index
        %get3A_327 = tpu.vector_load %arg7[%get3A_326] {strides = array<i32>} : memref<16384xi32, #tpu.memory_space<vmem>>, vector<16xi32>,
        %add3A_328 = vector.broadcast %mul3A_16 : i32 to vector<16xi32>
        %add3A_329 = arith.addi %get3A_327, %add3A_328 : vector<16xi32>
        %gather3A_330 = tpu.vector_load_idx %arg6[%add3A_329] : memref<16384xf32, #tpu.memory_space<vmem>>[vector<16xi32>], vector<16xf32>,
        %add3A_331 = arith.constant 9.99999971E-10 : f32
        %add3A_332 = vector.broadcast %add3A_331 : f32 to vector<16xf32>
        %add3A_333 = arith.addf %gather3A_330, %add3A_332 : vector<16xf32>
        %mul3A_334 = arith.mulf %scan3A_235, %add3A_333 : vector<16xf32>
        %mul3A_335 = arith.constant 256 : i32
        %mul3A_336 = arith.muli %scan3A_228, %mul3A_335 : i32
        %add3A_337 = arith.constant 112 : i32
        %add3A_338 = arith.addi %mul3A_336, %add3A_337 : i32
        %get3A_339 = arith.index_cast %add3A_338 : i32 to index
        %get3A_340 = tpu.vector_load %arg7[%get3A_339] {strides = array<i32>} : memref<16384xi32, #tpu.memory_space<vmem>>, vector<16xi32>,
        %add3A_341 = vector.broadcast %mul3A_16 : i32 to vector<16xi32>
        %add3A_342 = arith.addi %get3A_340, %add3A_341 : vector<16xi32>
        %gather3A_343 = tpu.vector_load_idx %arg6[%add3A_342] : memref<16384xf32, #tpu.memory_space<vmem>>[vector<16xi32>], vector<16xf32>,
        %add3A_344 = arith.constant 9.99999971E-10 : f32
        %add3A_345 = vector.broadcast %add3A_344 : f32 to vector<16xf32>
        %add3A_346 = arith.addf %gather3A_343, %add3A_345 : vector<16xf32>
        %mul3A_347 = arith.mulf %scan3A_236, %add3A_346 : vector<16xf32>
        %mul3A_348 = arith.constant 256 : i32
        %mul3A_349 = arith.muli %scan3A_228, %mul3A_348 : i32
        %add3A_350 = arith.constant 128 : i32
        %add3A_351 = arith.addi %mul3A_349, %add3A_350 : i32
        %get3A_352 = arith.index_cast %add3A_351 : i32 to index
        %get3A_353 = tpu.vector_load %arg7[%get3A_352] {strides = array<i32>} : memref<16384xi32, #tpu.memory_space<vmem>>, vector<16xi32>,
        %add3A_354 = vector.broadcast %mul3A_16 : i32 to vector<16xi32>
        %add3A_355 = arith.addi %get3A_353, %add3A_354 : vector<16xi32>
        %gather3A_356 = tpu.vector_load_idx %arg6[%add3A_355] : memref<16384xf32, #tpu.memory_space<vmem>>[vector<16xi32>], vector<16xf32>,
        %add3A_357 = arith.constant 9.99999971E-10 : f32
        %add3A_358 = vector.broadcast %add3A_357 : f32 to vector<16xf32>
        %add3A_359 = arith.addf %gather3A_356, %add3A_358 : vector<16xf32>
        %mul3A_360 = arith.mulf %scan3A_237, %add3A_359 : vector<16xf32>
        %mul3A_361 = arith.constant 256 : i32
        %mul3A_362 = arith.muli %scan3A_228, %mul3A_361 : i32
        %add3A_363 = arith.constant 144 : i32
        %add3A_364 = arith.addi %mul3A_362, %add3A_363 : i32
        %get3A_365 = arith.index_cast %add3A_364 : i32 to index
        %get3A_366 = tpu.vector_load %arg7[%get3A_365] {strides = array<i32>} : memref<16384xi32, #tpu.memory_space<vmem>>, vector<16xi32>,
        %add3A_367 = vector.broadcast %mul3A_16 : i32 to vector<16xi32>
        %add3A_368 = arith.addi %get3A_366, %add3A_367 : vector<16xi32>
        %gather3A_369 = tpu.vector_load_idx %arg6[%add3A_368] : memref<16384xf32, #tpu.memory_space<vmem>>[vector<16xi32>], vector<16xf32>,
        %add3A_370 = arith.constant 9.99999971E-10 : f32
        %add3A_371 = vector.broadcast %add3A_370 : f32 to vector<16xf32>
        %add3A_372 = arith.addf %gather3A_369, %add3A_371 : vector<16xf32>
        %mul3A_373 = arith.mulf %scan3A_238, %add3A_372 : vector<16xf32>
        %mul3A_374 = arith.constant 256 : i32
        %mul3A_375 = arith.muli %scan3A_228, %mul3A_374 : i32
        %add3A_376 = arith.constant 160 : i32
        %add3A_377 = arith.addi %mul3A_375, %add3A_376 : i32
        %get3A_378 = arith.index_cast %add3A_377 : i32 to index
        %get3A_379 = tpu.vector_load %arg7[%get3A_378] {strides = array<i32>} : memref<16384xi32, #tpu.memory_space<vmem>>, vector<16xi32>,
        %add3A_380 = vector.broadcast %mul3A_16 : i32 to vector<16xi32>
        %add3A_381 = arith.addi %get3A_379, %add3A_380 : vector<16xi32>
        %gather3A_382 = tpu.vector_load_idx %arg6[%add3A_381] : memref<16384xf32, #tpu.memory_space<vmem>>[vector<16xi32>], vector<16xf32>,
        %add3A_383 = arith.constant 9.99999971E-10 : f32
        %add3A_384 = vector.broadcast %add3A_383 : f32 to vector<16xf32>
        %add3A_385 = arith.addf %gather3A_382, %add3A_384 : vector<16xf32>
        %mul3A_386 = arith.mulf %scan3A_239, %add3A_385 : vector<16xf32>
        %mul3A_387 = arith.constant 256 : i32
        %mul3A_388 = arith.muli %scan3A_228, %mul3A_387 : i32
        %add3A_389 = arith.constant 176 : i32
        %add3A_390 = arith.addi %mul3A_388, %add3A_389 : i32
        %get3A_391 = arith.index_cast %add3A_390 : i32 to index
        %get3A_392 = tpu.vector_load %arg7[%get3A_391] {strides = array<i32>} : memref<16384xi32, #tpu.memory_space<vmem>>, vector<16xi32>,
        %add3A_393 = vector.broadcast %mul3A_16 : i32 to vector<16xi32>
        %add3A_394 = arith.addi %get3A_392, %add3A_393 : vector<16xi32>
        %gather3A_395 = tpu.vector_load_idx %arg6[%add3A_394] : memref<16384xf32, #tpu.memory_space<vmem>>[vector<16xi32>], vector<16xf32>,
        %add3A_396 = arith.constant 9.99999971E-10 : f32
        %add3A_397 = vector.broadcast %add3A_396 : f32 to vector<16xf32>
        %add3A_398 = arith.addf %gather3A_395, %add3A_397 : vector<16xf32>
        %mul3A_399 = arith.mulf %scan3A_240, %add3A_398 : vector<16xf32>
        %mul3A_400 = arith.constant 256 : i32
        %mul3A_401 = arith.muli %scan3A_228, %mul3A_400 : i32
        %add3A_402 = arith.constant 192 : i32
        %add3A_403 = arith.addi %mul3A_401, %add3A_402 : i32
        %get3A_404 = arith.index_cast %add3A_403 : i32 to index
        %get3A_405 = tpu.vector_load %arg7[%get3A_404] {strides = array<i32>} : memref<16384xi32, #tpu.memory_space<vmem>>, vector<16xi32>,
        %add3A_406 = vector.broadcast %mul3A_16 : i32 to vector<16xi32>
        %add3A_407 = arith.addi %get3A_405, %add3A_406 : vector<16xi32>
        %gather3A_408 = tpu.vector_load_idx %arg6[%add3A_407] : memref<16384xf32, #tpu.memory_space<vmem>>[vector<16xi32>], vector<16xf32>,
        %add3A_409 = arith.constant 9.99999971E-10 : f32
        %add3A_410 = vector.broadcast %add3A_409 : f32 to vector<16xf32>
        %add3A_411 = arith.addf %gather3A_408, %add3A_410 : vector<16xf32>
        %mul3A_412 = arith.mulf %scan3A_241, %add3A_411 : vector<16xf32>
        %mul3A_413 = arith.constant 256 : i32
        %mul3A_414 = arith.muli %scan3A_228, %mul3A_413 : i32
        %add3A_415 = arith.constant 208 : i32
        %add3A_416 = arith.addi %mul3A_414, %add3A_415 : i32
        %get3A_417 = arith.index_cast %add3A_416 : i32 to index
        %get3A_418 = tpu.vector_load %arg7[%get3A_417] {strides = array<i32>} : memref<16384xi32, #tpu.memory_space<vmem>>, vector<16xi32>,
        %add3A_419 = vector.broadcast %mul3A_16 : i32 to vector<16xi32>
        %add3A_420 = arith.addi %get3A_418, %add3A_419 : vector<16xi32>
        %gather3A_421 = tpu.vector_load_idx %arg6[%add3A_420] : memref<16384xf32, #tpu.memory_space<vmem>>[vector<16xi32>], vector<16xf32>,
        %add3A_422 = arith.constant 9.99999971E-10 : f32
        %add3A_423 = vector.broadcast %add3A_422 : f32 to vector<16xf32>
        %add3A_424 = arith.addf %gather3A_421, %add3A_423 : vector<16xf32>
        %mul3A_425 = arith.mulf %scan3A_242, %add3A_424 : vector<16xf32>
        %mul3A_426 = arith.constant 256 : i32
        %mul3A_427 = arith.muli %scan3A_228, %mul3A_426 : i32
        %add3A_428 = arith.constant 224 : i32
        %add3A_429 = arith.addi %mul3A_427, %add3A_428 : i32
        %get3A_430 = arith.index_cast %add3A_429 : i32 to index
        %get3A_431 = tpu.vector_load %arg7[%get3A_430] {strides = array<i32>} : memref<16384xi32, #tpu.memory_space<vmem>>, vector<16xi32>,
        %add3A_432 = vector.broadcast %mul3A_16 : i32 to vector<16xi32>
        %add3A_433 = arith.addi %get3A_431, %add3A_432 : vector<16xi32>
        %gather3A_434 = tpu.vector_load_idx %arg6[%add3A_433] : memref<16384xf32, #tpu.memory_space<vmem>>[vector<16xi32>], vector<16xf32>,
        %add3A_435 = arith.constant 9.99999971E-10 : f32
        %add3A_436 = vector.broadcast %add3A_435 : f32 to vector<16xf32>
        %add3A_437 = arith.addf %gather3A_434, %add3A_436 : vector<16xf32>
        %mul3A_438 = arith.mulf %scan3A_243, %add3A_437 : vector<16xf32>
        %mul3A_439 = arith.constant 256 : i32
        %mul3A_440 = arith.muli %scan3A_228, %mul3A_439 : i32
        %add3A_441 = arith.constant 240 : i32
        %add3A_442 = arith.addi %mul3A_440, %add3A_441 : i32
        %get3A_443 = arith.index_cast %add3A_442 : i32 to index
        %get3A_444 = tpu.vector_load %arg7[%get3A_443] {strides = array<i32>} : memref<16384xi32, #tpu.memory_space<vmem>>, vector<16xi32>,
        %add3A_445 = vector.broadcast %mul3A_16 : i32 to vector<16xi32>
        %add3A_446 = arith.addi %get3A_444, %add3A_445 : vector<16xi32>
        %gather3A_447 = tpu.vector_load_idx %arg6[%add3A_446] : memref<16384xf32, #tpu.memory_space<vmem>>[vector<16xi32>], vector<16xf32>,
        %add3A_448 = arith.constant 9.99999971E-10 : f32
        %add3A_449 = vector.broadcast %add3A_448 : f32 to vector<16xf32>
        %add3A_450 = arith.addf %gather3A_447, %add3A_449 : vector<16xf32>
        %mul3A_451 = arith.mulf %scan3A_244, %add3A_450 : vector<16xf32>
        scf.yield %mul3A_256, %mul3A_269, %mul3A_282, %mul3A_295, %mul3A_308, %mul3A_321, %mul3A_334, %mul3A_347, %mul3A_360, %mul3A_373, %mul3A_386, %mul3A_399, %mul3A_412, %mul3A_425, %mul3A_438, %mul3A_451 : vector<16xf32>, vector<16xf32>, vector<16xf32>, vector<16xf32>, vector<16xf32>, vector<16xf32>, vector<16xf32>, vector<16xf32>, vector<16xf32>, vector<16xf32>, vector<16xf32>, vector<16xf32>, vector<16xf32>, vector<16xf32>, vector<16xf32>, vector<16xf32>
      }
      %scan3A_53 = arith.constant 64 : i32
      %add3A_54 = arith.addf %scan3A_52#0, %scan3A_52#1 : vector<16xf32>
      %add3A_55 = arith.addf %add3A_54, %scan3A_52#2 : vector<16xf32>
      %add3A_56 = arith.addf %add3A_55, %scan3A_52#3 : vector<16xf32>
      %add3A_57 = arith.addf %add3A_56, %scan3A_52#4 : vector<16xf32>
      %add3A_58 = arith.addf %add3A_57, %scan3A_52#5 : vector<16xf32>
      %add3A_59 = arith.addf %add3A_58, %scan3A_52#6 : vector<16xf32>
      %add3A_60 = arith.addf %add3A_59, %scan3A_52#7 : vector<16xf32>
      %add3A_61 = arith.addf %add3A_60, %scan3A_52#8 : vector<16xf32>
      %add3A_62 = arith.addf %add3A_61, %scan3A_52#9 : vector<16xf32>
      %add3A_63 = arith.addf %add3A_62, %scan3A_52#10 : vector<16xf32>
      %add3A_64 = arith.addf %add3A_63, %scan3A_52#11 : vector<16xf32>
      %add3A_65 = arith.addf %add3A_64, %scan3A_52#12 : vector<16xf32>
      %add3A_66 = arith.addf %add3A_65, %scan3A_52#13 : vector<16xf32>
      %add3A_67 = arith.addf %add3A_66, %scan3A_52#14 : vector<16xf32>
      %add3A_68 = arith.addf %add3A_67, %scan3A_52#15 : vector<16xf32>
      %broadcast_in_dim3A_69 = arith.constant true
      %broadcast_in_dim3A_70 = vector.broadcast %broadcast_in_dim3A_69 : i1 to vector<16xi1>
      %masked_cumsum3A = tpu.scan <sum>, %add3A_68 masked %broadcast_in_dim3A_70 : vector<16xf32>, vector<16xi1> -> vector<16xf32>
      %swap3A = arith.constant 0 : index
      %swap3A_71 = tpu.vector_load %arg10[%swap3A] {strides = array<i32>} : memref<16xf32, #tpu.memory_space<vmem>>, vector<16xf32>,
      tpu.vector_store %arg10[%swap3A], %masked_cumsum3A {strides = array<i32>} : memref<16xf32, #tpu.memory_space<vmem>>, vector<16xf32>,
      %broadcast_in_dim3A_72 = arith.constant 0 : i32
      %broadcast_in_dim3A_73 = vector.broadcast %broadcast_in_dim3A_72 : i32 to vector<16xi32>
      %add3A_74 = arith.constant 15 : i32
      %add3A_75 = vector.broadcast %add3A_74 : i32 to vector<16xi32>
      %add3A_76 = arith.addi %broadcast_in_dim3A_73, %add3A_75 : vector<16xi32>
      %gather3A = tpu.vector_load_idx %arg10[%add3A_76] : memref<16xf32, #tpu.memory_space<vmem>>[vector<16xi32>], vector<16xf32>,
      %add3A_77 = arith.constant 9.99999997E-7 : f32
      %add3A_78 = vector.broadcast %add3A_77 : f32 to vector<16xf32>
      %add3A_79 = arith.addf %gather3A, %add3A_78 : vector<16xf32>
      %broadcast_in_dim3A_80 = arith.constant 1.000000e+00 : f32
      %broadcast_in_dim3A_81 = vector.broadcast %broadcast_in_dim3A_80 : f32 to vector<16xf32>
      %div3A = arith.divf %broadcast_in_dim3A_81, %add3A_79 : vector<16xf32>
      %mul3A_82 = arith.constant 256 : i32
      %mul3A_83 = arith.muli %scan3A_14, %mul3A_82 : i32
      %add3A_84 = arith.constant 0 : i32
      %add3A_85 = arith.addi %mul3A_83, %add3A_84 : i32
      %swap3A_86 = arith.index_cast %add3A_85 : i32 to index
      %swap3A_87 = tpu.vector_load %arg8[%swap3A_86] {strides = array<i32>} : memref<8192xf32, #tpu.memory_space<vmem>>, vector<16xf32>,
      tpu.vector_store %arg8[%swap3A_86], %scan3A_52#0 {strides = array<i32>} : memref<8192xf32, #tpu.memory_space<vmem>>, vector<16xf32>,
      %mul3A_88 = arith.mulf %scan3A_52#0, %div3A : vector<16xf32>
      %add3A_89 = arith.constant 0 : i32
      %add3A_90 = arith.addi %mul3A_83, %add3A_89 : i32
      %swap3A_91 = arith.index_cast %add3A_90 : i32 to index
      %swap3A_92 = tpu.vector_load %arg9[%swap3A_91] {strides = array<i32>} : memref<8192xf32, #tpu.memory_space<vmem>>, vector<16xf32>,
      tpu.vector_store %arg9[%swap3A_91], %mul3A_88 {strides = array<i32>} : memref<8192xf32, #tpu.memory_space<vmem>>, vector<16xf32>,
      %add3A_93 = arith.constant 16 : i32
      %add3A_94 = arith.addi %mul3A_83, %add3A_93 : i32
      %swap3A_95 = arith.index_cast %add3A_94 : i32 to index
      %swap3A_96 = tpu.vector_load %arg8[%swap3A_95] {strides = array<i32>} : memref<8192xf32, #tpu.memory_space<vmem>>, vector<16xf32>,
      tpu.vector_store %arg8[%swap3A_95], %scan3A_52#1 {strides = array<i32>} : memref<8192xf32, #tpu.memory_space<vmem>>, vector<16xf32>,
      %mul3A_97 = arith.mulf %scan3A_52#1, %div3A : vector<16xf32>
      %add3A_98 = arith.constant 16 : i32
      %add3A_99 = arith.addi %mul3A_83, %add3A_98 : i32
      %swap3A_100 = arith.index_cast %add3A_99 : i32 to index
      %swap3A_101 = tpu.vector_load %arg9[%swap3A_100] {strides = array<i32>} : memref<8192xf32, #tpu.memory_space<vmem>>, vector<16xf32>,
      tpu.vector_store %arg9[%swap3A_100], %mul3A_97 {strides = array<i32>} : memref<8192xf32, #tpu.memory_space<vmem>>, vector<16xf32>,
      %add3A_102 = arith.constant 32 : i32
      %add3A_103 = arith.addi %mul3A_83, %add3A_102 : i32
      %swap3A_104 = arith.index_cast %add3A_103 : i32 to index
      %swap3A_105 = tpu.vector_load %arg8[%swap3A_104] {strides = array<i32>} : memref<8192xf32, #tpu.memory_space<vmem>>, vector<16xf32>,
      tpu.vector_store %arg8[%swap3A_104], %scan3A_52#2 {strides = array<i32>} : memref<8192xf32, #tpu.memory_space<vmem>>, vector<16xf32>,
      %mul3A_106 = arith.mulf %scan3A_52#2, %div3A : vector<16xf32>
      %add3A_107 = arith.constant 32 : i32
      %add3A_108 = arith.addi %mul3A_83, %add3A_107 : i32
      %swap3A_109 = arith.index_cast %add3A_108 : i32 to index
      %swap3A_110 = tpu.vector_load %arg9[%swap3A_109] {strides = array<i32>} : memref<8192xf32, #tpu.memory_space<vmem>>, vector<16xf32>,
      tpu.vector_store %arg9[%swap3A_109], %mul3A_106 {strides = array<i32>} : memref<8192xf32, #tpu.memory_space<vmem>>, vector<16xf32>,
      %add3A_111 = arith.constant 48 : i32
      %add3A_112 = arith.addi %mul3A_83, %add3A_111 : i32
      %swap3A_113 = arith.index_cast %add3A_112 : i32 to index
      %swap3A_114 = tpu.vector_load %arg8[%swap3A_113] {strides = array<i32>} : memref<8192xf32, #tpu.memory_space<vmem>>, vector<16xf32>,
      tpu.vector_store %arg8[%swap3A_113], %scan3A_52#3 {strides = array<i32>} : memref<8192xf32, #tpu.memory_space<vmem>>, vector<16xf32>,
      %mul3A_115 = arith.mulf %scan3A_52#3, %div3A : vector<16xf32>
      %add3A_116 = arith.constant 48 : i32
      %add3A_117 = arith.addi %mul3A_83, %add3A_116 : i32
      %swap3A_118 = arith.index_cast %add3A_117 : i32 to index
      %swap3A_119 = tpu.vector_load %arg9[%swap3A_118] {strides = array<i32>} : memref<8192xf32, #tpu.memory_space<vmem>>, vector<16xf32>,
      tpu.vector_store %arg9[%swap3A_118], %mul3A_115 {strides = array<i32>} : memref<8192xf32, #tpu.memory_space<vmem>>, vector<16xf32>,
      %add3A_120 = arith.constant 64 : i32
      %add3A_121 = arith.addi %mul3A_83, %add3A_120 : i32
      %swap3A_122 = arith.index_cast %add3A_121 : i32 to index
      %swap3A_123 = tpu.vector_load %arg8[%swap3A_122] {strides = array<i32>} : memref<8192xf32, #tpu.memory_space<vmem>>, vector<16xf32>,
      tpu.vector_store %arg8[%swap3A_122], %scan3A_52#4 {strides = array<i32>} : memref<8192xf32, #tpu.memory_space<vmem>>, vector<16xf32>,
      %mul3A_124 = arith.mulf %scan3A_52#4, %div3A : vector<16xf32>
      %add3A_125 = arith.constant 64 : i32
      %add3A_126 = arith.addi %mul3A_83, %add3A_125 : i32
      %swap3A_127 = arith.index_cast %add3A_126 : i32 to index
      %swap3A_128 = tpu.vector_load %arg9[%swap3A_127] {strides = array<i32>} : memref<8192xf32, #tpu.memory_space<vmem>>, vector<16xf32>,
      tpu.vector_store %arg9[%swap3A_127], %mul3A_124 {strides = array<i32>} : memref<8192xf32, #tpu.memory_space<vmem>>, vector<16xf32>,
      %add3A_129 = arith.constant 80 : i32
      %add3A_130 = arith.addi %mul3A_83, %add3A_129 : i32
      %swap3A_131 = arith.index_cast %add3A_130 : i32 to index
      %swap3A_132 = tpu.vector_load %arg8[%swap3A_131] {strides = array<i32>} : memref<8192xf32, #tpu.memory_space<vmem>>, vector<16xf32>,
      tpu.vector_store %arg8[%swap3A_131], %scan3A_52#5 {strides = array<i32>} : memref<8192xf32, #tpu.memory_space<vmem>>, vector<16xf32>,
      %mul3A_133 = arith.mulf %scan3A_52#5, %div3A : vector<16xf32>
      %add3A_134 = arith.constant 80 : i32
      %add3A_135 = arith.addi %mul3A_83, %add3A_134 : i32
      %swap3A_136 = arith.index_cast %add3A_135 : i32 to index
      %swap3A_137 = tpu.vector_load %arg9[%swap3A_136] {strides = array<i32>} : memref<8192xf32, #tpu.memory_space<vmem>>, vector<16xf32>,
      tpu.vector_store %arg9[%swap3A_136], %mul3A_133 {strides = array<i32>} : memref<8192xf32, #tpu.memory_space<vmem>>, vector<16xf32>,
      %add3A_138 = arith.constant 96 : i32
      %add3A_139 = arith.addi %mul3A_83, %add3A_138 : i32
      %swap3A_140 = arith.index_cast %add3A_139 : i32 to index
      %swap3A_141 = tpu.vector_load %arg8[%swap3A_140] {strides = array<i32>} : memref<8192xf32, #tpu.memory_space<vmem>>, vector<16xf32>,
      tpu.vector_store %arg8[%swap3A_140], %scan3A_52#6 {strides = array<i32>} : memref<8192xf32, #tpu.memory_space<vmem>>, vector<16xf32>,
      %mul3A_142 = arith.mulf %scan3A_52#6, %div3A : vector<16xf32>
      %add3A_143 = arith.constant 96 : i32
      %add3A_144 = arith.addi %mul3A_83, %add3A_143 : i32
      %swap3A_145 = arith.index_cast %add3A_144 : i32 to index
      %swap3A_146 = tpu.vector_load %arg9[%swap3A_145] {strides = array<i32>} : memref<8192xf32, #tpu.memory_space<vmem>>, vector<16xf32>,
      tpu.vector_store %arg9[%swap3A_145], %mul3A_142 {strides = array<i32>} : memref<8192xf32, #tpu.memory_space<vmem>>, vector<16xf32>,
      %add3A_147 = arith.constant 112 : i32
      %add3A_148 = arith.addi %mul3A_83, %add3A_147 : i32
      %swap3A_149 = arith.index_cast %add3A_148 : i32 to index
      %swap3A_150 = tpu.vector_load %arg8[%swap3A_149] {strides = array<i32>} : memref<8192xf32, #tpu.memory_space<vmem>>, vector<16xf32>,
      tpu.vector_store %arg8[%swap3A_149], %scan3A_52#7 {strides = array<i32>} : memref<8192xf32, #tpu.memory_space<vmem>>, vector<16xf32>,
      %mul3A_151 = arith.mulf %scan3A_52#7, %div3A : vector<16xf32>
      %add3A_152 = arith.constant 112 : i32
      %add3A_153 = arith.addi %mul3A_83, %add3A_152 : i32
      %swap3A_154 = arith.index_cast %add3A_153 : i32 to index
      %swap3A_155 = tpu.vector_load %arg9[%swap3A_154] {strides = array<i32>} : memref<8192xf32, #tpu.memory_space<vmem>>, vector<16xf32>,
      tpu.vector_store %arg9[%swap3A_154], %mul3A_151 {strides = array<i32>} : memref<8192xf32, #tpu.memory_space<vmem>>, vector<16xf32>,
      %add3A_156 = arith.constant 128 : i32
      %add3A_157 = arith.addi %mul3A_83, %add3A_156 : i32
      %swap3A_158 = arith.index_cast %add3A_157 : i32 to index
      %swap3A_159 = tpu.vector_load %arg8[%swap3A_158] {strides = array<i32>} : memref<8192xf32, #tpu.memory_space<vmem>>, vector<16xf32>,
      tpu.vector_store %arg8[%swap3A_158], %scan3A_52#8 {strides = array<i32>} : memref<8192xf32, #tpu.memory_space<vmem>>, vector<16xf32>,
      %mul3A_160 = arith.mulf %scan3A_52#8, %div3A : vector<16xf32>
      %add3A_161 = arith.constant 128 : i32
      %add3A_162 = arith.addi %mul3A_83, %add3A_161 : i32
      %swap3A_163 = arith.index_cast %add3A_162 : i32 to index
      %swap3A_164 = tpu.vector_load %arg9[%swap3A_163] {strides = array<i32>} : memref<8192xf32, #tpu.memory_space<vmem>>, vector<16xf32>,
      tpu.vector_store %arg9[%swap3A_163], %mul3A_160 {strides = array<i32>} : memref<8192xf32, #tpu.memory_space<vmem>>, vector<16xf32>,
      %add3A_165 = arith.constant 144 : i32
      %add3A_166 = arith.addi %mul3A_83, %add3A_165 : i32
      %swap3A_167 = arith.index_cast %add3A_166 : i32 to index
      %swap3A_168 = tpu.vector_load %arg8[%swap3A_167] {strides = array<i32>} : memref<8192xf32, #tpu.memory_space<vmem>>, vector<16xf32>,
      tpu.vector_store %arg8[%swap3A_167], %scan3A_52#9 {strides = array<i32>} : memref<8192xf32, #tpu.memory_space<vmem>>, vector<16xf32>,
      %mul3A_169 = arith.mulf %scan3A_52#9, %div3A : vector<16xf32>
      %add3A_170 = arith.constant 144 : i32
      %add3A_171 = arith.addi %mul3A_83, %add3A_170 : i32
      %swap3A_172 = arith.index_cast %add3A_171 : i32 to index
      %swap3A_173 = tpu.vector_load %arg9[%swap3A_172] {strides = array<i32>} : memref<8192xf32, #tpu.memory_space<vmem>>, vector<16xf32>,
      tpu.vector_store %arg9[%swap3A_172], %mul3A_169 {strides = array<i32>} : memref<8192xf32, #tpu.memory_space<vmem>>, vector<16xf32>,
      %add3A_174 = arith.constant 160 : i32
      %add3A_175 = arith.addi %mul3A_83, %add3A_174 : i32
      %swap3A_176 = arith.index_cast %add3A_175 : i32 to index
      %swap3A_177 = tpu.vector_load %arg8[%swap3A_176] {strides = array<i32>} : memref<8192xf32, #tpu.memory_space<vmem>>, vector<16xf32>,
      tpu.vector_store %arg8[%swap3A_176], %scan3A_52#10 {strides = array<i32>} : memref<8192xf32, #tpu.memory_space<vmem>>, vector<16xf32>,
      %mul3A_178 = arith.mulf %scan3A_52#10, %div3A : vector<16xf32>
      %add3A_179 = arith.constant 160 : i32
      %add3A_180 = arith.addi %mul3A_83, %add3A_179 : i32
      %swap3A_181 = arith.index_cast %add3A_180 : i32 to index
      %swap3A_182 = tpu.vector_load %arg9[%swap3A_181] {strides = array<i32>} : memref<8192xf32, #tpu.memory_space<vmem>>, vector<16xf32>,
      tpu.vector_store %arg9[%swap3A_181], %mul3A_178 {strides = array<i32>} : memref<8192xf32, #tpu.memory_space<vmem>>, vector<16xf32>,
      %add3A_183 = arith.constant 176 : i32
      %add3A_184 = arith.addi %mul3A_83, %add3A_183 : i32
      %swap3A_185 = arith.index_cast %add3A_184 : i32 to index
      %swap3A_186 = tpu.vector_load %arg8[%swap3A_185] {strides = array<i32>} : memref<8192xf32, #tpu.memory_space<vmem>>, vector<16xf32>,
      tpu.vector_store %arg8[%swap3A_185], %scan3A_52#11 {strides = array<i32>} : memref<8192xf32, #tpu.memory_space<vmem>>, vector<16xf32>,
      %mul3A_187 = arith.mulf %scan3A_52#11, %div3A : vector<16xf32>
      %add3A_188 = arith.constant 176 : i32
      %add3A_189 = arith.addi %mul3A_83, %add3A_188 : i32
      %swap3A_190 = arith.index_cast %add3A_189 : i32 to index
      %swap3A_191 = tpu.vector_load %arg9[%swap3A_190] {strides = array<i32>} : memref<8192xf32, #tpu.memory_space<vmem>>, vector<16xf32>,
      tpu.vector_store %arg9[%swap3A_190], %mul3A_187 {strides = array<i32>} : memref<8192xf32, #tpu.memory_space<vmem>>, vector<16xf32>,
      %add3A_192 = arith.constant 192 : i32
      %add3A_193 = arith.addi %mul3A_83, %add3A_192 : i32
      %swap3A_194 = arith.index_cast %add3A_193 : i32 to index
      %swap3A_195 = tpu.vector_load %arg8[%swap3A_194] {strides = array<i32>} : memref<8192xf32, #tpu.memory_space<vmem>>, vector<16xf32>,
      tpu.vector_store %arg8[%swap3A_194], %scan3A_52#12 {strides = array<i32>} : memref<8192xf32, #tpu.memory_space<vmem>>, vector<16xf32>,
      %mul3A_196 = arith.mulf %scan3A_52#12, %div3A : vector<16xf32>
      %add3A_197 = arith.constant 192 : i32
      %add3A_198 = arith.addi %mul3A_83, %add3A_197 : i32
      %swap3A_199 = arith.index_cast %add3A_198 : i32 to index
      %swap3A_200 = tpu.vector_load %arg9[%swap3A_199] {strides = array<i32>} : memref<8192xf32, #tpu.memory_space<vmem>>, vector<16xf32>,
      tpu.vector_store %arg9[%swap3A_199], %mul3A_196 {strides = array<i32>} : memref<8192xf32, #tpu.memory_space<vmem>>, vector<16xf32>,
      %add3A_201 = arith.constant 208 : i32
      %add3A_202 = arith.addi %mul3A_83, %add3A_201 : i32
      %swap3A_203 = arith.index_cast %add3A_202 : i32 to index
      %swap3A_204 = tpu.vector_load %arg8[%swap3A_203] {strides = array<i32>} : memref<8192xf32, #tpu.memory_space<vmem>>, vector<16xf32>,
      tpu.vector_store %arg8[%swap3A_203], %scan3A_52#13 {strides = array<i32>} : memref<8192xf32, #tpu.memory_space<vmem>>, vector<16xf32>,
      %mul3A_205 = arith.mulf %scan3A_52#13, %div3A : vector<16xf32>
      %add3A_206 = arith.constant 208 : i32
      %add3A_207 = arith.addi %mul3A_83, %add3A_206 : i32
      %swap3A_208 = arith.index_cast %add3A_207 : i32 to index
      %swap3A_209 = tpu.vector_load %arg9[%swap3A_208] {strides = array<i32>} : memref<8192xf32, #tpu.memory_space<vmem>>, vector<16xf32>,
      tpu.vector_store %arg9[%swap3A_208], %mul3A_205 {strides = array<i32>} : memref<8192xf32, #tpu.memory_space<vmem>>, vector<16xf32>,
      %add3A_210 = arith.constant 224 : i32
      %add3A_211 = arith.addi %mul3A_83, %add3A_210 : i32
      %swap3A_212 = arith.index_cast %add3A_211 : i32 to index
      %swap3A_213 = tpu.vector_load %arg8[%swap3A_212] {strides = array<i32>} : memref<8192xf32, #tpu.memory_space<vmem>>, vector<16xf32>,
      tpu.vector_store %arg8[%swap3A_212], %scan3A_52#14 {strides = array<i32>} : memref<8192xf32, #tpu.memory_space<vmem>>, vector<16xf32>,
      %mul3A_214 = arith.mulf %scan3A_52#14, %div3A : vector<16xf32>
      %add3A_215 = arith.constant 224 : i32
      %add3A_216 = arith.addi %mul3A_83, %add3A_215 : i32
      %swap3A_217 = arith.index_cast %add3A_216 : i32 to index
      %swap3A_218 = tpu.vector_load %arg9[%swap3A_217] {strides = array<i32>} : memref<8192xf32, #tpu.memory_space<vmem>>, vector<16xf32>,
      tpu.vector_store %arg9[%swap3A_217], %mul3A_214 {strides = array<i32>} : memref<8192xf32, #tpu.memory_space<vmem>>, vector<16xf32>,
      %add3A_219 = arith.constant 240 : i32
      %add3A_220 = arith.addi %mul3A_83, %add3A_219 : i32
      %swap3A_221 = arith.index_cast %add3A_220 : i32 to index
      %swap3A_222 = tpu.vector_load %arg8[%swap3A_221] {strides = array<i32>} : memref<8192xf32, #tpu.memory_space<vmem>>, vector<16xf32>,
      tpu.vector_store %arg8[%swap3A_221], %scan3A_52#15 {strides = array<i32>} : memref<8192xf32, #tpu.memory_space<vmem>>, vector<16xf32>,
      %mul3A_223 = arith.mulf %scan3A_52#15, %div3A : vector<16xf32>
      %add3A_224 = arith.constant 240 : i32
      %add3A_225 = arith.addi %mul3A_83, %add3A_224 : i32
      %swap3A_226 = arith.index_cast %add3A_225 : i32 to index
      %swap3A_227 = tpu.vector_load %arg9[%swap3A_226] {strides = array<i32>} : memref<8192xf32, #tpu.memory_space<vmem>>, vector<16xf32>,
      tpu.vector_store %arg9[%swap3A_226], %mul3A_223 {strides = array<i32>} : memref<8192xf32, #tpu.memory_space<vmem>>, vector<16xf32>,
    }
    %scan3A_9 = arith.constant 32 : i32
    %mul3A_10 = arith.constant 256 : i32
    %mul3A_11 = arith.muli %mul3A_2, %mul3A_10 : i32
    "tpu.region"() ({
      %run_scoped3A = tpu.sem_alloc : memref<!tpu.dma_semaphore, #tpu.memory_space<semaphore_mem>>
      %dma_start3A = tpu.memref_slice %arg4[%mul3A_11] : memref<262144xf32, #tpu.memory_space<hbm>> -> memref<8192xf32, #tpu.memory_space<hbm>>
      %dma_start3A_14 = tpu.memref_slice %arg4[%mul3A_11] : memref<262144xf32, #tpu.memory_space<hbm>> -> memref<8192xf32, #tpu.memory_space<hbm>>
      tpu.enqueue_dma source(%arg8 : memref<8192xf32, #tpu.memory_space<vmem>>) target(%dma_start3A_14 : memref<8192xf32, #tpu.memory_space<hbm>>) target_semaphore(%run_scoped3A : memref<!tpu.dma_semaphore, #tpu.memory_space<semaphore_mem>>)
      %dma_wait3A = tpu.memref_slice %arg4[%mul3A_11] : memref<262144xf32, #tpu.memory_space<hbm>> -> memref<8192xf32, #tpu.memory_space<hbm>>
      %dma_wait3A_15 = tpu.memref_slice %arg4[%mul3A_11] : memref<262144xf32, #tpu.memory_space<hbm>> -> memref<8192xf32, #tpu.memory_space<hbm>>
      tpu.wait_dma2 semaphore(%run_scoped3A : memref<!tpu.dma_semaphore, #tpu.memory_space<semaphore_mem>>) src(%arg8 : memref<8192xf32, #tpu.memory_space<vmem>>) dst(%dma_wait3A_15 : memref<8192xf32, #tpu.memory_space<hbm>>)
      tpu.yield
    }) : () -> ()
    %mul3A_12 = arith.constant 256 : i32
    %mul3A_13 = arith.muli %mul3A_2, %mul3A_12 : i32
    "tpu.region"() ({
      %run_scoped3A = tpu.sem_alloc : memref<!tpu.dma_semaphore, #tpu.memory_space<semaphore_mem>>
      %dma_start3A = tpu.memref_slice %arg5[%mul3A_13] : memref<262144xf32, #tpu.memory_space<hbm>> -> memref<8192xf32, #tpu.memory_space<hbm>>
      %dma_start3A_14 = tpu.memref_slice %arg5[%mul3A_13] : memref<262144xf32, #tpu.memory_space<hbm>> -> memref<8192xf32, #tpu.memory_space<hbm>>
      tpu.enqueue_dma source(%arg9 : memref<8192xf32, #tpu.memory_space<vmem>>) target(%dma_start3A_14 : memref<8192xf32, #tpu.memory_space<hbm>>) target_semaphore(%run_scoped3A : memref<!tpu.dma_semaphore, #tpu.memory_space<semaphore_mem>>)
      %dma_wait3A = tpu.memref_slice %arg5[%mul3A_13] : memref<262144xf32, #tpu.memory_space<hbm>> -> memref<8192xf32, #tpu.memory_space<hbm>>
      %dma_wait3A_15 = tpu.memref_slice %arg5[%mul3A_13] : memref<262144xf32, #tpu.memory_space<hbm>> -> memref<8192xf32, #tpu.memory_space<hbm>>
      tpu.wait_dma2 semaphore(%run_scoped3A : memref<!tpu.dma_semaphore, #tpu.memory_space<semaphore_mem>>) src(%arg9 : memref<8192xf32, #tpu.memory_space<vmem>>) dst(%dma_wait3A_15 : memref<8192xf32, #tpu.memory_space<hbm>>)
      tpu.yield
    }) : () -> ()
    return
  }
}

</mosaic_0001>

<sc_bundles>
// kernel: kernel.3.cloned.1.call-start
scs
__scs_entry_jumppad:
0x0: {  	(pc) =	sbr.rel $0x88, $3  }
0x1: {  	(tag) =	ssettag $0x0;
	lr =	simm.s32 $0x1  }
0x2: {  	[smem:$0x3F9F] =	sst lr;
	_ =	strace $0xD0000000  }
0x3: {  	_ = 	snop  }
0x4: {  	_ = 	snop  }
0x5: {  	_ = 	snop  }
0x6: {  	_ = 	snop  }
0x7: {  	_ = 	snop  }
__scs_overlays_trampoline_lowered:
0x8: {  	[smem:$0x3FAE] =	sst s0  }
0x9: {  	[smem:$0x3FAF] =	sst s1  }
0xa: {  	[smem:$0x3FB0] =	sst s2  }
0xb: {  	[smem:$0x3FB1] =	sst s3  }
0xc: {  	[smem:$0x3FB2] =	sst s4  }
0xd: {  	[smem:$0x3FB3] =	sst s5  }
0xe: {  	[smem:$0x3FB4] =	sst s6  }
0xf: {  	[smem:$0x3FB5] =	sst s7  }
0x10: {  	[smem:$0x3FB6] =	sst s8  }
0x11: {  	[smem:$0x3FB7] =	sst s9;
	s0 =	simm.s32 @!p0 $0x0  }
0x12: {  	s1 =	sld [smem:$0x3F9D];
	s0 =	simm.s32 @p0 $0x1  }
0x13: {  	[smem:$0x3FB8] =	sst s0;
	s0 =	simm.s32 @!p1 $0x0  }
0x14: {  	s2 =	sld [smem:$0x3F9C];
	s0 =	simm.s32 @p1 $0x1  }
0x15: {  	[smem:$0x3FB9] =	sst s0;
	s0 =	simm.s32 @!p2 $0x0  }
0x16: {  	s3 =	sld [smem:$0x3FDB];
	s0 =	simm.s32 @p2 $0x1  }
0x17: {  	s4 =	simm.s32 $0x1BF5;
	[smem:$0x3FBB] =	sst s0  }
0x18: {  	s0 =	sld [smem:$0x3F9E];
	_ =	swait.ge [sflag:s4], $0x0  }
0x19: {  	s7 =	sld [smem:$0x3F9F]  }
0x1a: {  	s8 =	sadd.s32 $0xFFFFE003, lr  }
0x1b: {  	s9 =	sadd.s32 $0xFFFFFEF7, lr;
	s5 =	simm.s32 $0xFFFFFFFF;
	p2 =	slt.u32 s8, $0xFFFFF086  }
0x1c: {  	p1 =	slt.u32 s9, $0xF7A;
	s5 =	simm.s32 @!p2 $0x0  }
0x1d: {  	s5 =	simm.s32 @p1 $0x1;
	p0 =	seq.s32 s7, s2  }
0x1e: {  	s7 =	smul.u32 @!p0 $0xF7A, s2;
	p2 =	seq.s32 @!p0 s5, $0x0  }
0x1f: {  	s9 =	smul.u32 $0xF7A, s1;
	s8 =	simm.s32 @!p0 $0x1BF5;
	p2 =	por !p2, p0  }
0x20: {  	[sflag:s8] =	ssyncset.s32 @!p0 $0xFFFFF086;
	s6 =	sadd.s32 @!p0 s3, s7;
	s7 =	simm.s32 @!p0 $0x108  }
0x21: {  	s3 =	sadd.s32 s3, s9;
	s6 =	sadd.s32 @!p0 $0x88, s6;
	s7 =	simm.s32 @p2 $0x1082  }
0x22: {  	[simem:s7], [sflag:s8] =	dma.local @!p0 [hbm:s6], $0xF7A  }
0x23: {  	s9 =	sor.u32 $0xD0000000, s2;
	s6 =	simm.s32 $0x108;
	_ =	swait.ge @!p0 [sflag:s8], $0x0  }
0x24: {  	s3 =	sadd.s32 $0x88, s3;
	s6 =	simm.s32 @!p1 $0x1082;
	[sflag:s4] =	ssyncset.s32 $0xFFFFF086  }
0x25: {  	[simem:s6], [sflag:s4] =	dma.local [hbm:s3], $0xF7A  }
0x26: {  	[smem:$0x3F9F] =	sst s1;
	(tag) =	ssettag s2;
	_ =	strace s9  }
0x27: {  	s1 =	sld [smem:$0x3FAF]  }
0x28: {  	s2 =	sld [smem:$0x3FB0]  }
0x29: {  	s4 =	sld [smem:$0x3FB2]  }
0x2a: {  	p0 =	seq.s32 s5, $0x0;
	s5 =	sld [smem:$0x3FB3]  }
0x2b: {  	s6 =	sld [smem:$0x3FB4]  }
0x2c: {  	s7 =	sld [smem:$0x3FB5]  }
0x2d: {  	s3 =	simm.s32 $0x108;
	s8 =	sld [smem:$0x3FB6]  }
0x2e: {  	s3 =	simm.s32 @!p0 $0x1082;
	s9 =	sld [smem:$0x3FB7]  }
0x2f: {  	lr =	sadd.s32 s0, s3;
	s0 =	sld [smem:$0x3FAE]  }
0x30: {  	s3 =	sld [smem:$0x3FB1]  }
0x31: {  	[smem:$0x3FBA] =	sst s10  }
0x32: {  	s10 =	sld [smem:$0x3FB8];
	_ =	sdelay $0x3  }
0x33: {  	p0 =	seq.s32 s10, $0x1;
	s10 =	sld [smem:$0x3FBA];
	_ =	sdelay $0x3  }
0x34: {  	[smem:$0x3FBA] =	sst s10  }
0x35: {  	s10 =	sld [smem:$0x3FB9];
	_ =	sdelay $0x3  }
0x36: {  	p1 =	seq.s32 s10, $0x1;
	s10 =	sld [smem:$0x3FBA];
	_ =	sdelay $0x3  }
0x37: {  	[smem:$0x3FBA] =	sst s10  }
0x38: {  	s10 =	sld [smem:$0x3FBB]  }
0x39: {  	_ = 	snop;
	(pc) =	sbr.ind lr, $3  }
0x3a: {  	_ = 	snop  }
0x3b: {  	_ = 	snop  }
0x3c: {  	p2 =	seq.s32 s10, $0x1;
	s10 =	sld [smem:$0x3FBA]  }
0x3d: {  	_ =	shalt  }
0x3e: {  	_ =	shalt  }
0x3f: {  	_ =	shalt  }
0x40: {  	_ =	shalt  }
0x41: {  	_ =	shalt  }
0x42: {  	_ =	shalt  }
0x43: {  	_ =	shalt  }
0x44: {  	_ =	shalt  }
0x45: {  	_ =	shalt  }
0x46: {  	_ =	shalt  }
0x47: {  	_ =	shalt  }
0x48: {  	_ =	shalt  }
0x49: {  	_ =	shalt  }
0x4a: {  	_ =	shalt  }
0x4b: {  	_ =	shalt  }
0x4c: {  	_ =	shalt  }
0x4d: {  	_ =	shalt  }
0x4e: {  	_ =	shalt  }
0x4f: {  	_ =	shalt  }
0x50: {  	_ =	shalt  }
0x51: {  	_ =	shalt  }
0x52: {  	_ =	shalt  }
0x53: {  	_ =	shalt  }
0x54: {  	_ =	shalt  }
0x55: {  	_ =	shalt  }
0x56: {  	_ =	shalt  }
0x57: {  	_ =	shalt  }
0x58: {  	_ =	shalt  }
0x59: {  	_ =	shalt  }
0x5a: {  	_ =	shalt  }
0x5b: {  	_ =	shalt  }
0x5c: {  	_ =	shalt  }
0x5d: {  	_ =	shalt  }
0x5e: {  	_ =	shalt  }
0x5f: {  	_ =	shalt  }
0x60: {  	_ =	shalt  }
0x61: {  	_ =	shalt  }
0x62: {  	_ =	shalt  }
0x63: {  	_ =	shalt  }
0x64: {  	_ =	shalt  }
0x65: {  	_ =	shalt  }
0x66: {  	_ =	shalt  }
0x67: {  	_ =	shalt  }
0x68: {  	_ =	shalt  }
0x69: {  	_ =	shalt  }
0x6a: {  	_ =	shalt  }
0x6b: {  	_ =	shalt  }
0x6c: {  	_ =	shalt  }
0x6d: {  	_ =	shalt  }
0x6e: {  	_ =	shalt  }
0x6f: {  	_ =	shalt  }
0x70: {  	_ =	shalt  }
0x71: {  	_ =	shalt  }
0x72: {  	_ =	shalt  }
0x73: {  	_ =	shalt  }
0x74: {  	_ =	shalt  }
0x75: {  	_ =	shalt  }
0x76: {  	_ =	shalt  }
0x77: {  	_ =	shalt  }
0x78: {  	_ =	shalt  }
0x79: {  	_ =	shalt  }
0x7a: {  	_ =	shalt  }
0x7b: {  	_ =	shalt  }
0x7c: {  	_ =	shalt  }
0x7d: {  	_ =	shalt  }
0x7e: {  	_ =	shalt  }
0x7f: {  	_ =	shalt  }
0x80: {  	_ =	shalt  }
0x81: {  	_ =	shalt  }
0x82: {  	_ =	shalt  }
0x83: {  	_ =	shalt  }
0x84: {  	_ =	shalt  }
0x85: {  	_ =	shalt  }
0x86: {  	_ =	shalt  }
0x87: {  	_ =	shalt  }
.Lfunc_end0:
.L_simem_size_0:
called_computation_lowered:
.L_overlay_start_0:
0x88: {  	s2 =	sld [smem:$0x3FD9]  }
0x89: {  	s3 =	sld [smem:$0x3FFE];
	_ =	sdelay $0x1  }
0x8a: {  	s1 =	srdreg.scid  }
0x8b: {  	s0 =	sand.u32 $0x1, s1  }
0x8c: {  	s14 =	sshll.u32 s0, $0xA;
	s2 =	sadd.s32 s3, s2  }
0x8d: {  	s2 =	sadd.s32 s2, s14  }
0x8e: {  	[smem:$0x3FC6] =	sst s2  }
0x8f: {  	_ = 	snop  }
0x90: {  	s2 =	sld [smem:$0x3FD0];
	_ =	sdelay $0x2  }
0x91: {  	s15 =	simm.s32 $0xA;
	s4 =	simm.s32 $0x10  }
0x92: {  	[smem:s4], [sflag:s15] =	dma.local [hbm:s2], $0x1  }
0x93: {  	_ =	swait.eq [sflag:s15], $0x1  }
0x94: {  	[sflag:s15] =	ssyncset.done $0x0  }
0x95: {  	s16 =	sld [smem:$0x10];
	[sflag:s15] =	ssyncadd.s32 $0xFFFFFFFF  }
0x96: {  	s17 =	sld [smem:$0x11];
	(tm) =	ssettm $0x1  }
0x97: {  	s18 =	sld [smem:$0x3FFB];
	_ =	sdelay $0x3  }
0x98: {  	_ =	strace s18  }
0x99: {  	s4 =	sld [smem:$0x3FFC];
	_ =	sdelay $0x3  }
0x9a: {  	_ =	strace s4  }
0x9b: {  	s4 =	sld [smem:$0x3FFD];
	_ =	sdelay $0x3  }
0x9c: {  	_ =	strace s4  }
0x9d: {  	_ =	strace $0x8FFFFFFF  }
0x9e: {  	s19 =	sld [smem:$0x3FDB];
	_ =	sdelay $0x1  }
0x9f: {  	s5 =	simm.s32 $_scs_section_size  }
0xa0: {  	s6 =	simm.s32 $_size__tile_overlayer_lowered;
	s7 =	simm.s32 $_tile_overlayer_lowered  }
0xa1: {  	s22 =	simm.s32 $0x1BFF;
	s21 =	sshll.u32 s7, $0x1;
	s4 =	sadd.s32 s5, s19  }
0xa2: {  	s8 =	simm.s32 $0x0;
	s20 =	sshll.u32 s6, $0x1;
	s6 =	sadd.s32 s21, s4  }
0xa3: {  	[timem:s8], [sflag:s22] =	dma.local [hbm:s6], s20  }
0xa4: {  	_ =	swait.ge [sflag:s22], s20  }
0xa5: {  	s5 =	ssub.s32 $0x0, s20;
	[sflag:s22] =	ssyncset.done $0x0  }
0xa6: {  	[sflag:s22] =	ssyncadd.s32 s5;
	_ =	sdelay $0x1  }
0xa7: {  	s23 =	simm.s32 $0x1B8B  }
0xa8: {  	_ =	swait.ge [sflag:s23], $0x1  }
0xa9: {  	[sflag:s23] =	ssyncset.done $0x0  }
0xaa: {  	s25 =	simm.s32 $0x1B8E;
	s24 =	sld [smem:$0x3FFE];
	[sflag:s23] =	ssyncadd.s32 $0xFFFFFFFF  }
0xab: {  	s26 =	simm.s32 $execute0_lowered;
	[smem:$0x3FD2] =	sst s25  }
0xac: {  	s6 =	sshll.u32 s26, $0x1;
	_ =	strace $0x80000046;
	[dreg:$0x1] =	wrdreg $0xFFFFFFFF  }
0xad: {  	s28 =	simm.s32 $_size_execute0_lowered;
	s4 =	sadd.s32 s4, s6;
	[dreg:$0x0] =	wrdreg $0x0  }
0xae: {  	s6 =	sshll.u32 s28, $0x1;
	[dreg:$0x2] =	wrdreg s4  }
0xaf: {  	[dreg:$0x3] =	wrdreg s6  }
0xb0: {  	[dreg:$0x4] =	wrdreg $0xC0  }
0xb1: {  	_ =	task [dreg:s8], $0x5FFFF  }
0xb2: {  	[dreg:$0x1] =	wrdreg $0xFFFFFFFF  }
0xb3: {  	[dreg:$0x0] =	wrdreg $0x60  }
0xb4: {  	[dreg:$0x2] =	wrdreg s24  }
0xb5: {  	[dreg:$0x3] =	wrdreg s16  }
0xb6: {  	[dreg:$0x4] =	wrdreg s17  }
0xb7: {  	[dreg:$0x5] =	wrdreg $0x9  }
0xb8: {  	_ =	task.clear_ibuf [dreg:s8], $0x6FFFF;
	_ =	strace $0x90000046  }
0xb9: {  	s29 =	simm.s32 $0x9;
	_ =	strace $0x80000048  }
0xba: {  	_ =	swait.ge [sflag:s29], $0x1  }
0xbb: {  	[sflag:s29] =	ssyncadd.s32 $0xFFFFFFFF  }
0xbc: {  	_ =	strace $0x90000048  }
0xbd: {  	_ =	sfence  }
0xbe: {  	s30 =	sld [smem:$0x0];
	_ =	sdelay $0x2  }
0xbf: {  	s31 =	sshll.u32 s1, $0xD;
	s1 =	sshrl.u32 s1, $0x2  }
0xc0: {  	s3 =	sand.u32 $0x4000, s31;
	s1 =	sadd.s32 s1, s30  }
0xc1: {  	s0 =	sor.u32 s3, s0;
	s1 =	sshll.u32 s1, $0x11  }
0xc2: {  	s0 =	sor.u32 s1, s0  }
0xc3: {  	s0 =	sadd.s32 $0x8F2B, s0  }
0xc4: {  	[sflag:s0] =	ssyncadd.remote.s32 $0x1  }
0xc5: {  	_ =	sfence.sel $0xFFFF  }
0xc6: {  	[dreg:$0x0] =	wrdreg $0xFFFFFFFF;
	(pc) =	sbr.abs _section_cstart, $3  }
0xc7: {  	[dreg:$0x1] =	wrdreg $0xFFFFFFFF  }
0xc8: {  	_ =	task.clear_ibuf [dreg:s8], $0x2FFFF;
	_ =	strace $0x9FFFFFFF  }
0xc9: {  	(tm) =	ssettm $0x7FFFFFFF  }
tec
execute0_lowered:
.L_overlay_start_1:
0x0: {  	(tag) =	ssettag $0x1  }
0x1: {  	s4 =	rddreg [dreg:$0x0]  }
0x2: {  	s2 =	rddreg [dreg:$0x1]  }
0x3: {  	s5 =	rddreg [dreg:$0x2]  }
0x4: {  	s0 =	rddreg [dreg:$0x3];
	s6 =	srdreg.scid  }
0x5: {  	s1 =	stileid.u32;
	s3 =	simm.s32 $0x0;
	s11 =	simm.s32 $0x8000  }
0x6: {  	s12 =	simm.s32 $0xA000;
	s6 =	sand.u32 $0x1, s6;
	s7 =	sshll.u32 s1, $0x1  }
0x7: {  	s13 =	simm.s32 $0x0;
	[smem:$0x7FF] =	sst s3;
	s7 =	sor.u32 s6, s7  }
0x8: {  	_ =	strace $0x80000047;
	s6 =	ssub.s32 $0x2, s6;
	s8 =	sshll.u32 s7, $0xB  }
0x9: {  	s7 =	sshll.u32 s7, $0xA;
	s9 =	sshrl.u32 s6, $0x1;
	s8 =	sadd.s32 s8, s4  }
0xa: {  	s10 =	sadd.s32 s7, s4;
	s9 =	ssub.s32 s6, s9;
	s5 =	sadd.s32 s5, s7  }
0xb: {  	s4 =	sadd.s32 $0x100C00, s8;
	s6 =	sadd.s32 $0xC00, s10;
	s7 =	smax.u32 s9, $0x1  }
0xc: {  	v0 =	vimm.s32 $0xF;
	s8 =	simm.s32 $0x1;
	s9 =	simm.s32 $0x4000;
	s10 =	simm.s32 $0xC000  }
.LBB2_1:
0xd: {  	[tilespmem:s3], [sflag:$0x1] =	stream.linear.gather [hbm4b:s4+s3], $0x4000, $0x38;
	[tilespmem:$0xC080] =	vst v63  }
0xe: {  	_ =	swait.ge [sflag:s8], $0x4000  }
0xf: {  	[sflag:s8] =	ssyncset.done $0x0  }
0x10: {  	[sflag:s8] =	ssyncadd.s32 $0xFFFFC000  }
0x11: {  	[tilespmem:s9], [sflag:$0x1] =	stream.linear.gather [hbm4b:s2+s3], $0x4000, $0x38;
	[tilespmem:$0xC080] =	vst v63  }
0x12: {  	_ =	swait.ge [sflag:s8], $0x4000  }
0x13: {  	[sflag:s8] =	ssyncset.done $0x0  }
0x14: {  	s14 =	simm.s32 $0x0;
	[sflag:s8] =	ssyncadd.s32 $0xFFFFC000  }
.LBB2_2:
0x15: {  	s15 =	simm.s32 $0x0  }
0x16: {  	v2 =	vld [tilespmem:s15+$0x40F0]  }
0x17: {  	v3 =	vld [tilespmem:s15+$0x4000]  }
0x18: {  	v4 =	vld [tilespmem:s15+$0x4010]  }
0x19: {  	v5 =	vld [tilespmem:s15+$0x4020]  }
0x1a: {  	v6 =	vld [tilespmem:s15+$0x4030]  }
0x1b: {  	v7 =	vld [tilespmem:s15+$0x4040]  }
0x1c: {  	v8 =	vld [tilespmem:s15+$0x4050]  }
0x1d: {  	v9 =	vld [tilespmem:s15+$0x4060]  }
0x1e: {  	v10 =	vld [tilespmem:s15+$0x4070]  }
0x1f: {  	s16 =	sshll.u32 s14, $0x9;
	v11 =	vld [tilespmem:s15+$0x4080]  }
0x20: {  	v1 =	vmov s16;
	v12 =	vld [tilespmem:s15+$0x4090]  }
0x21: {  	v13 =	vld [tilespmem:s15+$0x40A0];
	v2 =	vadd.s32 v1, v2  }
0x22: {  	v14 =	vld [tilespmem:s15+$0x40B0];
	v3 =	vadd.s32 v1, v3  }
0x23: {  	v15 =	vld [tilespmem:s15+$0x40C0];
	v4 =	vadd.s32 v1, v4  }
0x24: {  	v16 =	vld [tilespmem:s15+$0x40D0];
	v5 =	vadd.s32 v1, v5  }
0x25: {  	v17 =	vld [tilespmem:s15+$0x40E0];
	v6 =	vadd.s32 v1, v6  }
0x26: {  	v10 =	vadd.s32 v1, v10;
	v2 =	vld.idx.msk [tilespmem:v2+s3+$0x0], $0xffff  }
0x27: {  	v11 =	vadd.s32 v1, v11;
	v3 =	vld.idx.msk [tilespmem:v3+s3+$0x0], $0xffff  }
0x28: {  	v7 =	vadd.s32 v1, v7;
	v4 =	vld.idx.msk [tilespmem:v4+s3+$0x0], $0xffff  }
0x29: {  	v8 =	vadd.s32 v1, v8;
	v18 =	vld.idx.msk [tilespmem:v5+s3+$0x0], $0xffff  }
0x2a: {  	v6 =	vld.idx.msk [tilespmem:v6+s3+$0x0], $0xffff  }
0x2b: {  	v9 =	vadd.s32 v1, v9;
	v10 =	vld.idx.msk [tilespmem:v10+s3+$0x0], $0xffff  }
0x2c: {  	v24 =	vld.idx.msk [tilespmem:v11+s3+$0x0], $0xffff  }
0x2d: {  	v12 =	vadd.s32 v1, v12;
	v13 =	vadd.s32 v1, v13;
	v7 =	vld.idx.msk [tilespmem:v7+s3+$0x0], $0xffff  }
0x2e: {  	v19 =	vadd.s32 v1, v14;
	v20 =	vadd.s32 v1, v15;
	v26 =	vadd.s32 v1, v16;
	v8 =	vld.idx.msk [tilespmem:v8+s3+$0x0], $0xffff  }
0x2f: {  	v27 =	vadd.s32 v1, v17;
	v2 =	vadd.f32 $9.999999710e-10, v2;
	v3 =	vadd.f32 $9.999999710e-10, v3  }
0x30: {  	v5 =	vimm.f32 $1.000000000e+00;
	v9 =	vld.idx.msk [tilespmem:v9+s3+$0x0], $0xffff;
	v4 =	vadd.f32 $9.999999710e-10, v4;
	v6 =	vadd.f32 $9.999999710e-10, v6  }
0x31: {  	v25 =	vadd.f32 $9.999999710e-10, v10;
	v24 =	vadd.f32 $9.999999710e-10, v24;
	v10 =	vimm.f32 $1.000000000e+00  }
0x32: {  	v23 =	vld.idx.msk [tilespmem:v12+s3+$0x0], $0xffff;
	v2 =	vmul.f32 v2, v5;
	v17 =	vmul.f32 v3, v5;
	v3 =	vadd.f32 $9.999999710e-10, v18  }
0x33: {  	v22 =	vld.idx.msk [tilespmem:v13+s3+$0x0], $0xffff;
	v16 =	vmul.f32 v4, v5;
	v4 =	vadd.f32 $9.999999710e-10, v7;
	v7 =	vadd.f32 $9.999999710e-10, v8  }
0x34: {  	v21 =	vld.idx.msk [tilespmem:v19+s3+$0x0], $0xffff;
	v14 =	vmul.f32 v6, v5;
	v8 =	vimm.f32 $1.000000000e+00;
	v6 =	vimm.f32 $1.000000000e+00  }
0x35: {  	v20 =	vld.idx.msk [tilespmem:v20+s3+$0x0], $0xffff;
	v15 =	vmul.f32 v3, v5;
	v3 =	vadd.f32 $9.999999710e-10, v9;
	v13 =	vmul.f32 v4, v5  }
0x36: {  	v19 =	vld.idx.msk [tilespmem:v27+s3+$0x0], $0xffff;
	v12 =	vmul.f32 v7, v5;
	v9 =	vimm.f32 $1.000000000e+00;
	v7 =	vimm.f32 $1.000000000e+00  }
0x37: {  	s15 =	simm.s32 $0x100;
	s16 =	simm.s32 $0x800;
	v18 =	vld.idx.msk [tilespmem:v26+s3+$0x0], $0xffff;
	v4 =	vimm.f32 $1.000000000e+00;
	v11 =	vmul.f32 v3, v5;
	v3 =	vimm.f32 $1.000000000e+00  }
.LBB2_3:
0x38: {  	p0 =	sne.s32 s16, $0xFC00;
	v26 =	vld [tilespmem:s15+$0x40F0];
	v5 =	vmul.f32 v25, v5;
	v23 =	vadd.f32 $9.999999710e-10, v23  }
0x39: {  	v22 =	vadd.f32 $9.999999710e-10, v22;
	v25 =	vld [tilespmem:s15+$0x4000];
	v10 =	vmul.f32 v24, v10  }
0x3a: {  	v21 =	vadd.f32 $9.999999710e-10, v21;
	v24 =	vld [tilespmem:s15+$0x4010];
	v9 =	vmul.f32 v23, v9  }
0x3b: {  	v8 =	vmul.f32 v22, v8;
	v20 =	vadd.f32 $9.999999710e-10, v20;
	v23 =	vld [tilespmem:s15+$0x4020]  }
0x3c: {  	v7 =	vmul.f32 v21, v7;
	v18 =	vadd.f32 $9.999999710e-10, v18;
	v22 =	vld [tilespmem:s15+$0x4030]  }
0x3d: {  	v6 =	vmul.f32 v20, v6;
	v19 =	vadd.f32 $9.999999710e-10, v19;
	v21 =	vld [tilespmem:s15+$0x4040];
	v26 =	vadd.s32 v1, v26  }
0x3e: {  	v4 =	vmul.f32 v18, v4;
	v20 =	vadd.s32 v1, v25;
	v25 =	vld [tilespmem:s15+$0x4050]  }
0x3f: {  	v3 =	vmul.f32 v19, v3;
	v18 =	vadd.s32 v1, v24;
	v24 =	vld [tilespmem:s15+$0x4060]  }
0x40: {  	v19 =	vadd.s32 v1, v23;
	v23 =	vld [tilespmem:s15+$0x4070]  }
0x41: {  	v22 =	vadd.s32 v1, v22;
	v27 =	vld [tilespmem:s15+$0x4080]  }
0x42: {  	v21 =	vadd.s32 v1, v21;
	v26 =	vld.idx.msk [tilespmem:v26+s3+$0x0], $0xffff  }
0x43: {  	v25 =	vadd.s32 v1, v25;
	v28 =	vld [tilespmem:s15+$0x4090]  }
0x44: {  	v24 =	vadd.s32 v1, v24;
	v29 =	vld [tilespmem:s15+$0x40A0]  }
0x45: {  	v23 =	vadd.s32 v1, v23;
	v30 =	vld [tilespmem:s15+$0x40B0]  }
0x46: {  	v27 =	vadd.s32 v1, v27;
	v31 =	vld [tilespmem:s15+$0x40C0]  }
0x47: {  	v32 =	vld [tilespmem:s15+$0x40D0]  }
0x48: {  	v26 =	vadd.f32 $9.999999710e-10, v26;
	v28 =	vadd.s32 v1, v28;
	v33 =	vld [tilespmem:s15+$0x40E0]  }
0x49: {  	v20 =	vld.idx.msk [tilespmem:v20+s3+$0x0], $0xffff;
	v29 =	vadd.s32 v1, v29  }
0x4a: {  	v2 =	vmul.f32 v26, v2;
	v18 =	vld.idx.msk [tilespmem:v18+s3+$0x0], $0xffff;
	v30 =	vadd.s32 v1, v30  }
0x4b: {  	v19 =	vld.idx.msk [tilespmem:v19+s3+$0x0], $0xffff;
	v26 =	vadd.s32 v1, v31  }
0x4c: {  	v22 =	vld.idx.msk [tilespmem:v22+s3+$0x0], $0xffff;
	v31 =	vadd.s32 v1, v32  }
0x4d: {  	v21 =	vld.idx.msk [tilespmem:v21+s3+$0x0], $0xffff;
	v32 =	vadd.s32 v1, v33  }
0x4e: {  	v25 =	vld.idx.msk [tilespmem:v25+s3+$0x0], $0xffff  }
0x4f: {  	v20 =	vadd.f32 $9.999999710e-10, v20;
	v24 =	vld.idx.msk [tilespmem:v24+s3+$0x0], $0xffff  }
0x50: {  	v18 =	vadd.f32 $9.999999710e-10, v18;
	v33 =	vld.idx.msk [tilespmem:v23+s3+$0x0], $0xffff  }
0x51: {  	v17 =	vmul.f32 v20, v17;
	v19 =	vadd.f32 $9.999999710e-10, v19;
	v27 =	vld.idx.msk [tilespmem:v27+s3+$0x0], $0xffff  }
0x52: {  	v16 =	vmul.f32 v18, v16;
	v18 =	vadd.f32 $9.999999710e-10, v22;
	v23 =	vld.idx.msk [tilespmem:v28+s3+$0x0], $0xffff  }
.Ltmp0:
0x53: {  	v15 =	vmul.f32 v19, v15;
	v19 =	vadd.f32 $9.999999710e-10, v21;
	v22 =	vld.idx.msk [tilespmem:v29+s3+$0x0], $0xffff;
	(pc) =	sbr.rel @p0 .LBB2_3-.Ltmp0, $4  }
0x54: {  	v14 =	vmul.f32 v18, v14;
	v18 =	vadd.f32 $9.999999710e-10, v25;
	v21 =	vld.idx.msk [tilespmem:v30+s3+$0x0], $0xffff  }
0x55: {  	v13 =	vmul.f32 v19, v13;
	v19 =	vadd.f32 $9.999999710e-10, v24;
	v20 =	vld.idx.msk [tilespmem:v26+s3+$0x0], $0xffff  }
0x56: {  	v12 =	vmul.f32 v18, v12;
	v25 =	vadd.f32 $9.999999710e-10, v33;
	v18 =	vld.idx.msk [tilespmem:v31+s3+$0x0], $0xffff  }
0x57: {  	s15 =	sshra.s32 s16, $0x2;
	s16 =	sadd.s32 $0x400, s16;
	v11 =	vmul.f32 v19, v11;
	v24 =	vadd.f32 $9.999999710e-10, v27;
	v19 =	vld.idx.msk [tilespmem:v32+s3+$0x0], $0xffff  }
0x58: {  	v26 =	vld [tilespmem:s15+$0x4000]  }
0x59: {  	v27 =	vld [tilespmem:s15+$0x4010];
	_ =	sdelay $0x1  }
0x5a: {  	v28 =	vld [tilespmem:s15+$0x4020];
	_ =	sdelay $0x1  }
0x5b: {  	v29 =	vld [tilespmem:s15+$0x4030];
	v26 =	vadd.s32 v1, v26  }
0x5c: {  	v27 =	vadd.s32 v1, v27  }
0x5d: {  	v30 =	vld [tilespmem:s15+$0x4040]  }
0x5e: {  	v31 =	vld [tilespmem:s15+$0x4050];
	v28 =	vadd.s32 v1, v28  }
0x5f: {  	v32 =	vld [tilespmem:s15+$0x4060]  }
0x60: {  	v29 =	vadd.s32 v1, v29;
	v26 =	vld.idx.msk [tilespmem:v26+s3+$0x0], $0xffff  }
0x61: {  	v27 =	vld.idx.msk [tilespmem:v27+s3+$0x0], $0xffff  }
0x62: {  	v33 =	vld [tilespmem:s15+$0x4070];
	v30 =	vadd.s32 v1, v30  }
0x63: {  	v31 =	vadd.s32 v1, v31;
	v28 =	vld.idx.msk [tilespmem:v28+s3+$0x0], $0xffff  }
0x64: {  	v34 =	vld [tilespmem:s15+$0x4080]  }
0x65: {  	v29 =	vld.idx.msk [tilespmem:v29+s3+$0x0], $0xffff  }
0x66: {  	v35 =	vld [tilespmem:s15+$0x4090];
	v32 =	vadd.s32 v1, v32;
	v26 =	vadd.f32 $9.999999710e-10, v26;
	v27 =	vadd.f32 $9.999999710e-10, v27  }
0x67: {  	v33 =	vadd.s32 v1, v33;
	v30 =	vld.idx.msk [tilespmem:v30+s3+$0x0], $0xffff  }
0x68: {  	v31 =	vld.idx.msk [tilespmem:v31+s3+$0x0], $0xffff;
	v28 =	vadd.f32 $9.999999710e-10, v28;
	v17 =	vmul.f32 v26, v17;
	v16 =	vmul.f32 v27, v16  }
0x69: {  	v55 =	vld [tilespmem:s15+$0x40A0];
	v56 =	vadd.s32 v1, v34  }
0x6a: {  	v58 =	vld [tilespmem:s15+$0x40B0];
	v29 =	vadd.f32 $9.999999710e-10, v29;
	v15 =	vmul.f32 v28, v15;
	v57 =	vadd.f32 v16, v17  }
0x6b: {  	v35 =	vadd.s32 v1, v35;
	v32 =	vld.idx.msk [tilespmem:v32+s3+$0x0], $0xffff  }
0x6c: {  	v33 =	vld.idx.msk [tilespmem:v33+s3+$0x0], $0xffff;
	v30 =	vadd.f32 $9.999999710e-10, v30;
	v14 =	vmul.f32 v29, v14;
	v28 =	vadd.f32 v15, v57  }
0x6d: {  	v59 =	vld [tilespmem:s15+$0x40C0];
	v31 =	vadd.f32 $9.999999710e-10, v31  }
0x6e: {  	v60 =	vld [tilespmem:s15+$0x40D0];
	v13 =	vmul.f32 v30, v13;
	v26 =	vadd.s32 v1, v55;
	v28 =	vadd.f32 v14, v28  }
0x6f: {  	v34 =	vadd.s32 v1, v58;
	v27 =	vld.idx.msk [tilespmem:v56+s3+$0x0], $0xffff  }
0x70: {  	v61 =	vld [tilespmem:s15+$0x40E0];
	v32 =	vadd.f32 $9.999999710e-10, v32;
	v12 =	vmul.f32 v31, v12;
	v28 =	vadd.f32 v13, v28  }
0x71: {  	v5 =	vmul.f32 v25, v5;
	v62 =	vld.idx.msk [tilespmem:v35+s3+$0x0], $0xffff;
	v33 =	vadd.f32 $9.999999710e-10, v33  }
0x72: {  	v63 =	vld [tilespmem:s15+$0x40F0];
	v11 =	vmul.f32 v32, v11;
	v29 =	vadd.s32 v1, v59;
	v28 =	vadd.f32 v12, v28  }
0x73: {  	v23 =	vadd.f32 $9.999999710e-10, v23;
	v10 =	vmul.f32 v24, v10;
	v35 =	vadd.s32 v1, v60;
	v26 =	vld.idx.msk [tilespmem:v26+s3+$0x0], $0xffff  }
0x74: {  	v5 =	vmul.f32 v33, v5;
	v27 =	vadd.f32 $9.999999710e-10, v27;
	v28 =	vadd.f32 v11, v28  }
0x75: {  	v22 =	vadd.f32 $9.999999710e-10, v22;
	v9 =	vmul.f32 v23, v9;
	v36 =	vadd.s32 v1, v61;
	v37 =	vld.idx.msk [tilespmem:v34+s3+$0x0], $0xffff  }
0x76: {  	v25 =	vadd.f32 $9.999999710e-10, v62;
	v10 =	vmul.f32 v27, v10;
	v38 =	vadd.f32 v5, v28  }
0x77: {  	v21 =	vadd.f32 $9.999999710e-10, v21;
	v8 =	vmul.f32 v22, v8;
	v1 =	vadd.s32 v1, v63;
	v39 =	vld.idx.msk [tilespmem:v29+s3+$0x0], $0xffff  }
0x78: {  	v9 =	vmul.f32 v25, v9;
	v26 =	vadd.f32 $9.999999710e-10, v26;
	v40 =	vadd.f32 v10, v38  }
0x79: {  	v20 =	vadd.f32 $9.999999710e-10, v20;
	v7 =	vmul.f32 v21, v7;
	v41 =	vld.idx.msk [tilespmem:v35+s3+$0x0], $0xffff  }
0x7a: {  	v42 =	vadd.f32 $9.999999710e-10, v37;
	v8 =	vmul.f32 v26, v8;
	v25 =	vadd.f32 v9, v40  }
0x7b: {  	v18 =	vadd.f32 $9.999999710e-10, v18;
	v6 =	vmul.f32 v20, v6;
	v43 =	vld.idx.msk [tilespmem:v36+s3+$0x0], $0xffff  }
0x7c: {  	v7 =	vmul.f32 v42, v7;
	v22 =	vadd.f32 $9.999999710e-10, v39;
	v44 =	vadd.f32 v8, v25  }
0x7d: {  	v19 =	vadd.f32 $9.999999710e-10, v19;
	v4 =	vmul.f32 v18, v4;
	v1 =	vld.idx.msk [tilespmem:v1+s3+$0x0], $0xffff  }
0x7e: {  	v45 =	vadd.f32 $9.999999710e-10, v41;
	v6 =	vmul.f32 v22, v6;
	v46 =	vadd.f32 v7, v44  }
0x7f: {  	v3 =	vmul.f32 v19, v3  }
0x80: {  	v47 =	vadd.f32 $9.999999710e-10, v43;
	v4 =	vmul.f32 v45, v4;
	v48 =	vadd.f32 v6, v46;
	_ =	sdelay $0x1  }
0x81: {  	v3 =	vmul.f32 v47, v3;
	v1 =	vadd.f32 $9.999999710e-10, v1;
	v18 =	vadd.f32 v4, v48;
	_ =	sdelay $0x1  }
0x82: {  	v1 =	vmul.f32 v1, v2;
	v2 =	vadd.f32 v3, v18;
	_ =	sdelay $0x1  }
0x83: {  	v2 =	vadd.f32 v1, v2;
	_ =	sdelay $0x1  }
0x84: {  	(xrf2) =	vadd.scan.msk.f32 $0xffff, v2;
	_ =	sdelay $0x9  }
0x85: {  	v2, _, _ =	vpop (xrf2)  }
0x86: {  	[tilespmem:$0xC000] =	vst v2  }
0x87: {  	v2 =	vld.idx.msk [tilespmem:v0+s10+$0x0], $0xffff;
	_ =	sdelay $0x1  }
0x88: {  	s31 =	sshll.u32 s14, $0x8  }
0x89: {  	[tilespmem:s31+$0x8000] =	vst v17  }
0x8a: {  	[tilespmem:s31+$0x8010] =	vst v16  }
0x8b: {  	[tilespmem:s31+$0x8020] =	vst v15;
	v2 =	vadd.f32 $9.999999970e-07, v2  }
0x8c: {  	[tilespmem:s31+$0x8030] =	vst v14  }
0x8d: {  	[tilespmem:s31+$0x8040] =	vst v13;
	(erf) = vrcp.f32 v2  }
0x8e: {  	[tilespmem:s31+$0x8050] =	vst v12  }
0x8f: {  	[tilespmem:s31+$0x8060] =	vst v11  }
0x90: {  	[tilespmem:s31+$0x8070] =	vst v5  }
0x91: {  	[tilespmem:s31+$0x8080] =	vst v10  }
0x92: {  	[tilespmem:s31+$0x8090] =	vst v9  }
0x93: {  	[tilespmem:s31+$0x80A0] =	vst v8  }
0x94: {  	[tilespmem:s31+$0x80B0] =	vst v7  }
0x95: {  	[tilespmem:s31+$0x80C0] =	vst v6  }
0x96: {  	[tilespmem:s31+$0x80D0] =	vst v4;
	v2 =	vpop (erf)  }
0x97: {  	[tilespmem:s31+$0x80E0] =	vst v3;
	v49 =	vmul.f32 v2, v17  }
0x98: {  	[tilespmem:s31+$0x80F0] =	vst v1;
	v50 =	vmul.f32 v2, v16  }
0x99: {  	v51 =	vmul.f32 v2, v15;
	[tilespmem:s31+$0xA000] =	vst v49  }
0x9a: {  	v52 =	vmul.f32 v2, v14;
	[tilespmem:s31+$0xA010] =	vst v50  }
0x9b: {  	v53 =	vmul.f32 v2, v13;
	[tilespmem:s31+$0xA020] =	vst v51  }
0x9c: {  	v54 =	vmul.f32 v2, v12;
	[tilespmem:s31+$0xA030] =	vst v52  }
0x9d: {  	v55 =	vmul.f32 v2, v11;
	[tilespmem:s31+$0xA040] =	vst v53  }
0x9e: {  	v56 =	vmul.f32 v2, v5;
	[tilespmem:s31+$0xA050] =	vst v54  }
0x9f: {  	v57 =	vmul.f32 v2, v10;
	[tilespmem:s31+$0xA060] =	vst v55  }
0xa0: {  	v58 =	vmul.f32 v2, v9;
	[tilespmem:s31+$0xA070] =	vst v56  }
0xa1: {  	v59 =	vmul.f32 v2, v8;
	[tilespmem:s31+$0xA080] =	vst v57  }
0xa2: {  	s14 =	sadd.s32 $0x1, s14;
	v60 =	vmul.f32 v2, v7;
	[tilespmem:s31+$0xA090] =	vst v58  }
0xa3: {  	p0 =	sne.s32 s14, $0x20;
	v61 =	vmul.f32 v2, v6;
	[tilespmem:s31+$0xA0A0] =	vst v59  }
.Ltmp1:
0xa4: {  	v62 =	vmul.f32 v2, v4;
	[tilespmem:s31+$0xA0B0] =	vst v60;
	(pc) =	sbr.rel @p0 .LBB2_2-.Ltmp1, $4  }
0xa5: {  	v63 =	vmul.f32 v2, v3;
	[tilespmem:s31+$0xA0C0] =	vst v61  }
0xa6: {  	v2 =	vmul.f32 v2, v1;
	[tilespmem:s31+$0xA0D0] =	vst v62  }
0xa7: {  	[tilespmem:s31+$0xA0E0] =	vst v63  }
0xa8: {  	[tilespmem:s31+$0xA0F0] =	vst v2  }
0xa9: {  	[hbm4b:s5+s3] =	stream.linear.scatter [tilespmem:s11], [sflag:$0x1], $0x2000, $0x38;
	[tilespmem:$0xC080] =	vst v63  }
0xaa: {  	s13 =	sadd.s32 $0x1, s13;
	_ =	swait.ge [sflag:s8], $0x2000  }
0xab: {  	p0 =	sne.s32 s13, s7;
	[sflag:s8] =	ssyncset.done $0x0  }
.Ltmp2:
0xac: {  	[sflag:s8] =	ssyncadd.s32 $0xFFFFE000;
	(pc) =	sbr.rel @p0 .LBB2_1-.Ltmp2, $4  }
0xad: {  	[hbm4b:s6+s3] =	stream.linear.scatter [tilespmem:s12], [sflag:$0x1], $0x2000, $0x38;
	[tilespmem:$0xC080] =	vst v63  }
0xae: {  	_ =	swait.ge [sflag:s8], $0x2000  }
0xaf: {  	[sflag:s8] =	ssyncset.done $0x0  }
0xb0: {  	[sflag:s8] =	ssyncadd.s32 $0xFFFFE000  }
0xb1: {  	_ =	sfence.sel $0x180000  }
0xb2: {  	[bflag:$0x0] =	sbarrier.arrive $0xFFFF  }
0xb3: {  	p0 =	sne.s32 s1, $0x0;
	_ =	strace $0x90000047  }
0xb4: {  	s0 =	sadd.s32 @!p0 $0x100000, s0;
	[bflag:$0x2] =	sbarrier.arrive $0xFFFF  }
0xb5: {  	[sflag:s0] =	ssyncadd.tile.s32 @!p0 $0x1;
	_ =	shalt  }
.Lfunc_end2:
_tile_overlayer_lowered:
.L_overlay_start_2:
0xb6: {  	(tag) =	ssettag $0x2  }
0xb7: {  	s0 =	rddreg [dreg:$0x0];
	s2 =	stileid.u32  }
0xb8: {  	s1 =	rddreg [dreg:$0x1];
	p0 =	sne.s32 s2, $0x0  }
0xb9: {  	s3 =	rddreg [dreg:$0x2];
	[bflag:$0x3] =	sbarrier.arrive $0xFFFF;
	s2 =	simm.s32 @!p0 $0x1C01  }
0xba: {  	[timem:s3], [sflag:s2] =	dma.local @!p0 [hbm:s0], s1  }
0xbb: {  	s0 =	simm.s32 @!p0 $0x1  }
0xbc: {  	_ =	swait.ge @!p0 [sflag:s0], s1  }
0xbd: {  	s1 =	ssub.s32 @!p0 $0x0, s1;
	[sflag:s0] =	ssyncset.done @!p0 $0x0  }
0xbe: {  	[sflag:s0] =	ssyncadd.s32 @!p0 s1  }
0xbf: {  	[bflag:$0x3] =	sbarrier.arrive $0xFFFF  }
0xc0: {  	_ =	shalt  }

</sc_bundles>
